<compile_context>
chip_gen: v7x
topology: tpu7x:2x2x1
jax: 0.10.2.dev20260603
libtpu: 0.0.44.dev20260713+nightly
codegen_flags: <defaults>
</compile_context>

<pallas_src>
import functools

import jax
import jax.numpy as jnp
from jax import lax
from jax.experimental import pallas as pl
from jax.experimental.pallas import tpu as pltpu
from jax.experimental.pallas import tpu_sc as plsc

_PREC = lax.Precision.DEFAULT

_BM = 4608
_BN = 1024
_BC = 256



def _dist_body(e_hbm, pw_ref, pb_ref, x_ref, qc_ref, idx_ref, diff_ref,
               cn_ref, ebuf, qcb_ref, xs_ref, xn_ref, rmin_ref, ridx_ref,
               acc_ref, sem):
    mi = pl.program_id(0)
    n = pl.program_id(1)
    n_last = pl.num_programs(1) - 1
    bn = ebuf.shape[0]

    @pl.when(mi == 0)
    def _():
        cp = pltpu.make_async_copy(e_hbm.at[pl.ds(n * bn, bn), :], ebuf, sem)
        cp.start()
        cp.wait()
        qc = lax.dot_general(
            ebuf[...], pw_ref[...], (((1,), (1,)), ((), ())),
            preferred_element_type=jnp.float32, precision=_PREC) + pb_ref[...]
        qc_ref[pl.ds(n * bn, bn), :] = qc
        qcb_ref[pl.ds(n * bn, bn), :] = qc.astype(jnp.bfloat16)
        cn_ref[pl.ds(n * bn, bn), :] = jnp.sum(qc * qc, axis=1, keepdims=True)

    bm = xs_ref.shape[0]

    @pl.when(n == 0)
    def _():
        x = x_ref[...]
        xs_ref[...] = (x * -2.0).astype(jnp.bfloat16)
        xn_ref[...] = jnp.sum(x * x, axis=1, keepdims=True).reshape(1, bm)

    xs = xs_ref[...]
    xnt = xn_ref[...]

    rm_run = None
    bi_run = None
    for c in range(bn // _BC):
        base = n * bn + c * _BC
        qc_c = qcb_ref[pl.ds(base, _BC), :]
        m2 = lax.dot_general(
            qc_c, xs, (((1,), (1,)), ((), ())),
            preferred_element_type=jnp.float32, precision=_PREC)
        s = (xnt + cn_ref[pl.ds(base, _BC), :]) + m2
        rm = jnp.min(s, axis=0, keepdims=True)
        iot = lax.broadcasted_iota(jnp.int32, s.shape, 0).astype(jnp.float32)
        cand = jnp.where(s == rm, iot, jnp.float32(jnp.inf))
        bi = jnp.min(cand, axis=0, keepdims=True) + base.astype(jnp.float32)
        if rm_run is None:
            rm_run, bi_run = rm, bi
        else:
            better = rm < rm_run
            bi_run = jnp.where(better, bi, bi_run)
            rm_run = jnp.where(better, rm, rm_run)

    @pl.when(n == 0)
    def _():
        rmin_ref[...] = rm_run
        ridx_ref[...] = bi_run

    @pl.when(n > 0)
    def _():
        better = rm_run < rmin_ref[...]
        ridx_ref[...] = jnp.where(better, bi_run, ridx_ref[...])
        rmin_ref[...] = jnp.where(better, rm_run, rmin_ref[...])

    @pl.when(n == n_last)
    def _():
        idx_ref[...] = ridx_ref[...].astype(jnp.int32).reshape(1, 1, bm)
        sm = jnp.sum(rmin_ref[...])

        @pl.when(mi == 0)
        def _():
            acc_ref[0] = sm

        @pl.when(mi > 0)
        def _():
            acc_ref[0] = acc_ref[0] + sm

        @pl.when(mi == pl.num_programs(0) - 1)
        def _():
            m1 = acc_ref[0] / jnp.float32(
                pl.num_programs(0) * bm * xs_ref.shape[1])
            diff_ref[...] = jnp.reshape(m1 + 0.25 * m1, (1, 1))


def _distargmin(flat, embed_w, proj_w, proj_b):
    m, dim = flat.shape
    n_embed = embed_w.shape[0]
    qc, idx2, diff = pl.pallas_call(
        _dist_body,
        grid=(m // _BM, n_embed // _BN),
        in_specs=[
            pl.BlockSpec(memory_space=pltpu.MemorySpace.HBM),
            pl.BlockSpec((dim, dim), lambda i, n: (0, 0)),
            pl.BlockSpec((1, dim), lambda i, n: (0, 0)),
            pl.BlockSpec((_BM, dim), lambda i, n: (i, 0)),
        ],
        out_specs=[
            pl.BlockSpec((n_embed, dim), lambda i, n: (0, 0)),
            pl.BlockSpec((1, 1, _BM), lambda i, n: (i, 0, 0)),
            pl.BlockSpec((1, 1), lambda i, n: (0, 0)),
        ],
        out_shape=[
            jax.ShapeDtypeStruct((n_embed, dim), jnp.float32),
            jax.ShapeDtypeStruct((m // _BM, 1, _BM), jnp.int32),
            jax.ShapeDtypeStruct((1, 1), jnp.float32),
        ],
        scratch_shapes=[
            pltpu.VMEM((n_embed, 1), jnp.float32),
            pltpu.VMEM((_BN, dim), jnp.float32),
            pltpu.VMEM((n_embed, dim), jnp.bfloat16),
            pltpu.VMEM((_BM, dim), jnp.bfloat16),
            pltpu.VMEM((1, _BM), jnp.float32),
            pltpu.VMEM((1, _BM), jnp.float32),
            pltpu.VMEM((1, _BM), jnp.float32),
            pltpu.SMEM((1,), jnp.float32),
            pltpu.SemaphoreType.DMA,
        ],
    )(embed_w, proj_w, proj_b.reshape(1, dim), flat)
    return qc, idx2.reshape(m), diff



def _gather(qc, idx):
    m = idx.shape[0]
    n_embed, dim = qc.shape
    info = plsc.get_sparse_core_info()
    nc, ns = info.num_cores, info.num_subcores
    nw = nc * ns
    b_per_w = m // nw
    chunk = b_per_w
    while chunk * dim * 4 > 256 * 1024 or chunk % 8:
        for c in range(chunk - 1, 0, -1):
            if b_per_w % c == 0:
                chunk = c
                break
        else:
            chunk = 8
            break
    n_chunks = b_per_w // chunk
    mesh = plsc.VectorSubcoreMesh(core_axis_name="c", subcore_axis_name="s")

    @functools.partial(
        pl.kernel, mesh=mesh,
        out_type=jax.ShapeDtypeStruct((m, dim), jnp.float32),
        scratch_types=[
            pltpu.VMEM((chunk,), jnp.int32),
            pltpu.VMEM((chunk, dim), jnp.float32),
            pltpu.SemaphoreType.DMA,
        ],
    )
    def _k(table_hbm, idx_hbm, out_hbm, idx_v, rows_v, sem):
        wid = lax.axis_index("s") * nc + lax.axis_index("c")
        base = wid * b_per_w
        for c in range(n_chunks):
            off = base + c * chunk
            pltpu.sync_copy(idx_hbm.at[pl.ds(off, chunk)], idx_v)
            pltpu.async_copy(table_hbm.at[idx_v], rows_v, sem).wait()
            pltpu.sync_copy(rows_v, out_hbm.at[pl.ds(off, chunk)])

    return _k(qc, idx)



def kernel(z, embed_w, proj_w, proj_b):
    dim = embed_w.shape[1]
    flat = z.reshape(-1, dim)
    qc, idx, diff = _distargmin(flat, embed_w, proj_w, proj_b)
    zq = _gather(qc, idx)
    return zq.reshape(z.shape), diff.reshape(()), idx

# --- scband reference (transcript-rebuilt; emitter-appended) ---
"""Pipeline reference for scband-w-sim-vq-decompose-19765439496199 (READ-ONLY COPY).

The authoritative reference and input builder live on the scoring server;
editing this copy changes nothing except your own understanding.
"""

import jax, jax.numpy as jnp
import numpy as np


def setup_inputs(seed: int = 0) -> dict:
    key = jax.random.key(seed)
    k1, k2, k3, k4 = jax.random.split(key, 4)
    dim = 256
    n_embed = 8192
    B, T = 32, 576
    z = jax.random.normal(k1, (B, T, dim), dtype=jnp.float32)
    # nn.Embedding init: normal(0, dim**-0.5)
    embed_w = jax.random.normal(k2, (n_embed, dim), dtype=jnp.float32) * (dim ** -0.5)
    # nn.Linear(dim, dim): kaiming-uniform-ish; use xavier-normal scale
    proj_w = jax.random.normal(k3, (dim, dim), dtype=jnp.float32) * ((2.0 / (dim + dim)) ** 0.5)
    proj_b = jnp.zeros((dim,), dtype=jnp.float32)
    return {"z": z, "embed_w": embed_w, "proj_w": proj_w, "proj_b": proj_b}


def reference(z, embed_w, proj_w, proj_b):
    # Faithful translation of Quantize.forward (SimVQ: codebook passed through a
    # linear projection before nearest-neighbor lookup).
    dim = embed_w.shape[1]
    flatten = z.reshape(-1, dim)
    # embedding_proj(embedding.weight): torch Linear is x @ W.T + b
    quant_codebook = flatten.dtype.type(0) + (embed_w @ proj_w.T + proj_b)
    # d[b, n] = ||flatten_b||^2 + ||code_n||^2 - 2 * flatten_b . code_n
    d = (jnp.sum(flatten ** 2, axis=1, keepdims=True)
         + jnp.sum(quant_codebook ** 2, axis=1)
         - 2.0 * (flatten @ quant_codebook.T))
    min_encoding_indices = jnp.argmin(d, axis=1)
    z_quantize = jnp.take(quant_codebook, min_encoding_indices, axis=0).reshape(z.shape)
    diff = jnp.mean((jax.lax.stop_gradient(z_quantize) - z) ** 2)
    commit_loss = jnp.mean((z_quantize - jax.lax.stop_gradient(z)) ** 2)
    beta = 0.25
    diff = diff + beta * commit_loss  # legacy=True branch
    # straight-through estimator
    z_quantize_st = z + jax.lax.stop_gradient(z_quantize - z)
    return (z_quantize_st, diff, min_encoding_indices)

if __name__ == "__main__":
    import jax
    _d = setup_inputs()
    print(jax.jit(kernel)(*tuple(_d.values())))

</pallas_src>

<mosaic_0001>
#map = affine_map<(d0, d1) -> (0, 0)>
#map1 = affine_map<(d0, d1) -> (0)>
module attributes {stable_mosaic.version = 14 : i64} {
  func.func @_k(%arg0: i32, %arg1: i32, %arg2: memref<8192x256xf32, #tpu.memory_space<hbm>>, %arg3: memref<18432xi32, #tpu.memory_space<hbm>>, %arg4: memref<18432x256xf32, #tpu.memory_space<hbm>>, %arg5: memref<192xi32, #tpu.memory_space<vmem>>, %arg6: memref<192x256xf32, #tpu.memory_space<vmem>>, %arg7: memref<!tpu.dma_semaphore, #tpu.memory_space<semaphore_mem>>) attributes {dimension_semantics = [#tpu.dimension_semantics<core_parallel>, #tpu.dimension_semantics<subcore_parallel>], iteration_bounds = array<i64: 2, 16>, scalar_prefetch = 0 : i64, scratch_operands = 3 : i64, tpu.core_type = #tpu.core_type<sc_vector_subcore>, window_params = [{transform_indices = #map}, {transform_indices = #map1}, {transform_indices = #map}]} {
    %mul3A = arith.constant 2 : i32
    %mul3A_0 = arith.muli %arg1, %mul3A : i32
    %add3A = arith.addi %mul3A_0, %arg0 : i32
    %mul3A_1 = arith.constant 576 : i32
    %mul3A_2 = arith.muli %add3A, %mul3A_1 : i32
    %add3A_3 = arith.constant 0 : i32
    %add3A_4 = arith.addi %mul3A_2, %add3A_3 : i32
    "tpu.region"() ({
      %run_scoped3A = tpu.sem_alloc : memref<!tpu.dma_semaphore, #tpu.memory_space<semaphore_mem>>
      %dma_start3A_25 = tpu.memref_slice %arg3[%add3A_4] : memref<18432xi32, #tpu.memory_space<hbm>> -> memref<192xi32, #tpu.memory_space<hbm>>
      %dma_start3A_26 = tpu.memref_slice %arg3[%add3A_4] : memref<18432xi32, #tpu.memory_space<hbm>> -> memref<192xi32, #tpu.memory_space<hbm>>
      tpu.enqueue_dma source(%dma_start3A_26 : memref<192xi32, #tpu.memory_space<hbm>>) target(%arg5 : memref<192xi32, #tpu.memory_space<vmem>>) target_semaphore(%run_scoped3A : memref<!tpu.dma_semaphore, #tpu.memory_space<semaphore_mem>>)
      %dma_wait3A_27 = tpu.memref_slice %arg3[%add3A_4] : memref<18432xi32, #tpu.memory_space<hbm>> -> memref<192xi32, #tpu.memory_space<hbm>>
      %dma_wait3A_28 = tpu.memref_slice %arg3[%add3A_4] : memref<18432xi32, #tpu.memory_space<hbm>> -> memref<192xi32, #tpu.memory_space<hbm>>
      tpu.wait_dma2 semaphore(%run_scoped3A : memref<!tpu.dma_semaphore, #tpu.memory_space<semaphore_mem>>) src(%dma_wait3A_28 : memref<192xi32, #tpu.memory_space<hbm>>) dst(%arg5 : memref<192xi32, #tpu.memory_space<vmem>>)
      tpu.yield
    }) : () -> ()
    %dma_start3A = arith.constant 0 : i32
    %dma_start3A_5 = arith.constant 0 : i32
    %dma_start3A_6 = tpu.memref_slice %arg2[%dma_start3A, %dma_start3A_5] : memref<8192x256xf32, #tpu.memory_space<hbm>> -> memref<8192x256xf32, #tpu.memory_space<hbm>>
    tpu.enqueue_indirect_dma source(%dma_start3A_6 : memref<8192x256xf32, #tpu.memory_space<hbm>>) target(%arg6 : memref<192x256xf32, #tpu.memory_space<vmem>>) offsets(%arg5 : memref<192xi32, #tpu.memory_space<vmem>>) semaphore(%arg7 : memref<!tpu.dma_semaphore, #tpu.memory_space<semaphore_mem>>)
    %dma_wait3A = arith.constant 0 : i32
    %dma_wait3A_7 = arith.constant 0 : i32
    %dma_wait3A_8 = tpu.memref_slice %arg2[%dma_wait3A, %dma_wait3A_7] : memref<8192x256xf32, #tpu.memory_space<hbm>> -> memref<8192x256xf32, #tpu.memory_space<hbm>>
    tpu.wait_indirect_dma semaphore(%arg7 : memref<!tpu.dma_semaphore, #tpu.memory_space<semaphore_mem>>) src(%dma_wait3A_8 : memref<8192x256xf32, #tpu.memory_space<hbm>>) dst(%arg6 : memref<192x256xf32, #tpu.memory_space<vmem>>)
    "tpu.region"() ({
      %run_scoped3A = tpu.sem_alloc : memref<!tpu.dma_semaphore, #tpu.memory_space<semaphore_mem>>
      %dma_start3A_25 = arith.constant 0 : i32
      %dma_start3A_26 = tpu.memref_slice %arg4[%add3A_4, %dma_start3A_25] : memref<18432x256xf32, #tpu.memory_space<hbm>> -> memref<192x256xf32, #tpu.memory_space<hbm>>
      %dma_start3A_27 = arith.constant 0 : i32
      %dma_start3A_28 = tpu.memref_slice %arg4[%add3A_4, %dma_start3A_27] : memref<18432x256xf32, #tpu.memory_space<hbm>> -> memref<192x256xf32, #tpu.memory_space<hbm>>
      tpu.enqueue_dma source(%arg6 : memref<192x256xf32, #tpu.memory_space<vmem>>) target(%dma_start3A_28 : memref<192x256xf32, #tpu.memory_space<hbm>>) target_semaphore(%run_scoped3A : memref<!tpu.dma_semaphore, #tpu.memory_space<semaphore_mem>>)
      %dma_wait3A_29 = arith.constant 0 : i32
      %dma_wait3A_30 = tpu.memref_slice %arg4[%add3A_4, %dma_wait3A_29] : memref<18432x256xf32, #tpu.memory_space<hbm>> -> memref<192x256xf32, #tpu.memory_space<hbm>>
      %dma_wait3A_31 = arith.constant 0 : i32
      %dma_wait3A_32 = tpu.memref_slice %arg4[%add3A_4, %dma_wait3A_31] : memref<18432x256xf32, #tpu.memory_space<hbm>> -> memref<192x256xf32, #tpu.memory_space<hbm>>
      tpu.wait_dma2 semaphore(%run_scoped3A : memref<!tpu.dma_semaphore, #tpu.memory_space<semaphore_mem>>) src(%arg6 : memref<192x256xf32, #tpu.memory_space<vmem>>) dst(%dma_wait3A_32 : memref<192x256xf32, #tpu.memory_space<hbm>>)
      tpu.yield
    }) : () -> ()
    %add3A_9 = arith.constant 192 : i32
    %add3A_10 = arith.addi %mul3A_2, %add3A_9 : i32
    "tpu.region"() ({
      %run_scoped3A = tpu.sem_alloc : memref<!tpu.dma_semaphore, #tpu.memory_space<semaphore_mem>>
      %dma_start3A_25 = tpu.memref_slice %arg3[%add3A_10] : memref<18432xi32, #tpu.memory_space<hbm>> -> memref<192xi32, #tpu.memory_space<hbm>>
      %dma_start3A_26 = tpu.memref_slice %arg3[%add3A_10] : memref<18432xi32, #tpu.memory_space<hbm>> -> memref<192xi32, #tpu.memory_space<hbm>>
      tpu.enqueue_dma source(%dma_start3A_26 : memref<192xi32, #tpu.memory_space<hbm>>) target(%arg5 : memref<192xi32, #tpu.memory_space<vmem>>) target_semaphore(%run_scoped3A : memref<!tpu.dma_semaphore, #tpu.memory_space<semaphore_mem>>)
      %dma_wait3A_27 = tpu.memref_slice %arg3[%add3A_10] : memref<18432xi32, #tpu.memory_space<hbm>> -> memref<192xi32, #tpu.memory_space<hbm>>
      %dma_wait3A_28 = tpu.memref_slice %arg3[%add3A_10] : memref<18432xi32, #tpu.memory_space<hbm>> -> memref<192xi32, #tpu.memory_space<hbm>>
      tpu.wait_dma2 semaphore(%run_scoped3A : memref<!tpu.dma_semaphore, #tpu.memory_space<semaphore_mem>>) src(%dma_wait3A_28 : memref<192xi32, #tpu.memory_space<hbm>>) dst(%arg5 : memref<192xi32, #tpu.memory_space<vmem>>)
      tpu.yield
    }) : () -> ()
    %dma_start3A_11 = arith.constant 0 : i32
    %dma_start3A_12 = arith.constant 0 : i32
    %dma_start3A_13 = tpu.memref_slice %arg2[%dma_start3A_11, %dma_start3A_12] : memref<8192x256xf32, #tpu.memory_space<hbm>> -> memref<8192x256xf32, #tpu.memory_space<hbm>>
    tpu.enqueue_indirect_dma source(%dma_start3A_13 : memref<8192x256xf32, #tpu.memory_space<hbm>>) target(%arg6 : memref<192x256xf32, #tpu.memory_space<vmem>>) offsets(%arg5 : memref<192xi32, #tpu.memory_space<vmem>>) semaphore(%arg7 : memref<!tpu.dma_semaphore, #tpu.memory_space<semaphore_mem>>)
    %dma_wait3A_14 = arith.constant 0 : i32
    %dma_wait3A_15 = arith.constant 0 : i32
    %dma_wait3A_16 = tpu.memref_slice %arg2[%dma_wait3A_14, %dma_wait3A_15] : memref<8192x256xf32, #tpu.memory_space<hbm>> -> memref<8192x256xf32, #tpu.memory_space<hbm>>
    tpu.wait_indirect_dma semaphore(%arg7 : memref<!tpu.dma_semaphore, #tpu.memory_space<semaphore_mem>>) src(%dma_wait3A_16 : memref<8192x256xf32, #tpu.memory_space<hbm>>) dst(%arg6 : memref<192x256xf32, #tpu.memory_space<vmem>>)
    "tpu.region"() ({
      %run_scoped3A = tpu.sem_alloc : memref<!tpu.dma_semaphore, #tpu.memory_space<semaphore_mem>>
      %dma_start3A_25 = arith.constant 0 : i32
      %dma_start3A_26 = tpu.memref_slice %arg4[%add3A_10, %dma_start3A_25] : memref<18432x256xf32, #tpu.memory_space<hbm>> -> memref<192x256xf32, #tpu.memory_space<hbm>>
      %dma_start3A_27 = arith.constant 0 : i32
      %dma_start3A_28 = tpu.memref_slice %arg4[%add3A_10, %dma_start3A_27] : memref<18432x256xf32, #tpu.memory_space<hbm>> -> memref<192x256xf32, #tpu.memory_space<hbm>>
      tpu.enqueue_dma source(%arg6 : memref<192x256xf32, #tpu.memory_space<vmem>>) target(%dma_start3A_28 : memref<192x256xf32, #tpu.memory_space<hbm>>) target_semaphore(%run_scoped3A : memref<!tpu.dma_semaphore, #tpu.memory_space<semaphore_mem>>)
      %dma_wait3A_29 = arith.constant 0 : i32
      %dma_wait3A_30 = tpu.memref_slice %arg4[%add3A_10, %dma_wait3A_29] : memref<18432x256xf32, #tpu.memory_space<hbm>> -> memref<192x256xf32, #tpu.memory_space<hbm>>
      %dma_wait3A_31 = arith.constant 0 : i32
      %dma_wait3A_32 = tpu.memref_slice %arg4[%add3A_10, %dma_wait3A_31] : memref<18432x256xf32, #tpu.memory_space<hbm>> -> memref<192x256xf32, #tpu.memory_space<hbm>>
      tpu.wait_dma2 semaphore(%run_scoped3A : memref<!tpu.dma_semaphore, #tpu.memory_space<semaphore_mem>>) src(%arg6 : memref<192x256xf32, #tpu.memory_space<vmem>>) dst(%dma_wait3A_32 : memref<192x256xf32, #tpu.memory_space<hbm>>)
      tpu.yield
    }) : () -> ()
    %add3A_17 = arith.constant 384 : i32
    %add3A_18 = arith.addi %mul3A_2, %add3A_17 : i32
    "tpu.region"() ({
      %run_scoped3A = tpu.sem_alloc : memref<!tpu.dma_semaphore, #tpu.memory_space<semaphore_mem>>
      %dma_start3A_25 = tpu.memref_slice %arg3[%add3A_18] : memref<18432xi32, #tpu.memory_space<hbm>> -> memref<192xi32, #tpu.memory_space<hbm>>
      %dma_start3A_26 = tpu.memref_slice %arg3[%add3A_18] : memref<18432xi32, #tpu.memory_space<hbm>> -> memref<192xi32, #tpu.memory_space<hbm>>
      tpu.enqueue_dma source(%dma_start3A_26 : memref<192xi32, #tpu.memory_space<hbm>>) target(%arg5 : memref<192xi32, #tpu.memory_space<vmem>>) target_semaphore(%run_scoped3A : memref<!tpu.dma_semaphore, #tpu.memory_space<semaphore_mem>>)
      %dma_wait3A_27 = tpu.memref_slice %arg3[%add3A_18] : memref<18432xi32, #tpu.memory_space<hbm>> -> memref<192xi32, #tpu.memory_space<hbm>>
      %dma_wait3A_28 = tpu.memref_slice %arg3[%add3A_18] : memref<18432xi32, #tpu.memory_space<hbm>> -> memref<192xi32, #tpu.memory_space<hbm>>
      tpu.wait_dma2 semaphore(%run_scoped3A : memref<!tpu.dma_semaphore, #tpu.memory_space<semaphore_mem>>) src(%dma_wait3A_28 : memref<192xi32, #tpu.memory_space<hbm>>) dst(%arg5 : memref<192xi32, #tpu.memory_space<vmem>>)
      tpu.yield
    }) : () -> ()
    %dma_start3A_19 = arith.constant 0 : i32
    %dma_start3A_20 = arith.constant 0 : i32
    %dma_start3A_21 = tpu.memref_slice %arg2[%dma_start3A_19, %dma_start3A_20] : memref<8192x256xf32, #tpu.memory_space<hbm>> -> memref<8192x256xf32, #tpu.memory_space<hbm>>
    tpu.enqueue_indirect_dma source(%dma_start3A_21 : memref<8192x256xf32, #tpu.memory_space<hbm>>) target(%arg6 : memref<192x256xf32, #tpu.memory_space<vmem>>) offsets(%arg5 : memref<192xi32, #tpu.memory_space<vmem>>) semaphore(%arg7 : memref<!tpu.dma_semaphore, #tpu.memory_space<semaphore_mem>>)
    %dma_wait3A_22 = arith.constant 0 : i32
    %dma_wait3A_23 = arith.constant 0 : i32
    %dma_wait3A_24 = tpu.memref_slice %arg2[%dma_wait3A_22, %dma_wait3A_23] : memref<8192x256xf32, #tpu.memory_space<hbm>> -> memref<8192x256xf32, #tpu.memory_space<hbm>>
    tpu.wait_indirect_dma semaphore(%arg7 : memref<!tpu.dma_semaphore, #tpu.memory_space<semaphore_mem>>) src(%dma_wait3A_24 : memref<8192x256xf32, #tpu.memory_space<hbm>>) dst(%arg6 : memref<192x256xf32, #tpu.memory_space<vmem>>)
    "tpu.region"() ({
      %run_scoped3A = tpu.sem_alloc : memref<!tpu.dma_semaphore, #tpu.memory_space<semaphore_mem>>
      %dma_start3A_25 = arith.constant 0 : i32
      %dma_start3A_26 = tpu.memref_slice %arg4[%add3A_18, %dma_start3A_25] : memref<18432x256xf32, #tpu.memory_space<hbm>> -> memref<192x256xf32, #tpu.memory_space<hbm>>
      %dma_start3A_27 = arith.constant 0 : i32
      %dma_start3A_28 = tpu.memref_slice %arg4[%add3A_18, %dma_start3A_27] : memref<18432x256xf32, #tpu.memory_space<hbm>> -> memref<192x256xf32, #tpu.memory_space<hbm>>
      tpu.enqueue_dma source(%arg6 : memref<192x256xf32, #tpu.memory_space<vmem>>) target(%dma_start3A_28 : memref<192x256xf32, #tpu.memory_space<hbm>>) target_semaphore(%run_scoped3A : memref<!tpu.dma_semaphore, #tpu.memory_space<semaphore_mem>>)
      %dma_wait3A_29 = arith.constant 0 : i32
      %dma_wait3A_30 = tpu.memref_slice %arg4[%add3A_18, %dma_wait3A_29] : memref<18432x256xf32, #tpu.memory_space<hbm>> -> memref<192x256xf32, #tpu.memory_space<hbm>>
      %dma_wait3A_31 = arith.constant 0 : i32
      %dma_wait3A_32 = tpu.memref_slice %arg4[%add3A_18, %dma_wait3A_31] : memref<18432x256xf32, #tpu.memory_space<hbm>> -> memref<192x256xf32, #tpu.memory_space<hbm>>
      tpu.wait_dma2 semaphore(%run_scoped3A : memref<!tpu.dma_semaphore, #tpu.memory_space<semaphore_mem>>) src(%arg6 : memref<192x256xf32, #tpu.memory_space<vmem>>) dst(%dma_wait3A_32 : memref<192x256xf32, #tpu.memory_space<hbm>>)
      tpu.yield
    }) : () -> ()
    return
  }
}

module attributes {stable_mosaic.version = 14 : i64} {
  func.func @_dist_body(%arg0: i32, %arg1: i32, %arg2: memref<8192x256xf32, #tpu.memory_space<hbm>>, %arg3: memref<256x256xf32, #tpu.memory_space<vmem>>, %arg4: memref<1x256xf32, #tpu.memory_space<vmem>>, %arg5: memref<4608x256xf32, #tpu.memory_space<vmem>>, %arg6: memref<8192x256xf32, #tpu.memory_space<vmem>>, %arg7: memref<1x1x4608xi32, #tpu.memory_space<vmem>>, %arg8: memref<1x1xf32, #tpu.memory_space<vmem>>, %arg9: memref<8192x1xf32, #tpu.memory_space<vmem>>, %arg10: memref<1024x256xf32, #tpu.memory_space<vmem>>, %arg11: memref<8192x256xbf16, #tpu.memory_space<vmem>>, %arg12: memref<4608x256xbf16, #tpu.memory_space<vmem>>, %arg13: memref<1x4608xf32, #tpu.memory_space<vmem>>, %arg14: memref<1x4608xf32, #tpu.memory_space<vmem>>, %arg15: memref<1x4608xf32, #tpu.memory_space<vmem>>, %arg16: memref<1xf32, #tpu.memory_space<smem>>, %arg17: memref<!tpu.dma_semaphore, #tpu.memory_space<semaphore_mem>>) attributes {dimension_semantics = [#tpu.dimension_semantics<arbitrary>, #tpu.dimension_semantics<arbitrary>], iteration_bounds = array<i64: 4, 8>, scalar_prefetch = 0 : i64, scratch_operands = 9 : i64, tpu.core_type = #tpu.core_type<tc>, window_params = [{}, {pipeline_mode = #tpu.pipeline_mode<synchronous>, transform_indices = @transform_1, window_bounds = array<i64: 256, 256>}, {pipeline_mode = #tpu.pipeline_mode<synchronous>, transform_indices = @transform_2, window_bounds = array<i64: 1, 256>}, {transform_indices = @transform_3, window_bounds = array<i64: 4608, 256>}, {pipeline_mode = #tpu.pipeline_mode<synchronous>, transform_indices = @transform_4, window_bounds = array<i64: 8192, 256>}, {transform_indices = @transform_5, window_bounds = array<i64: 1, 1, 4608>}, {pipeline_mode = #tpu.pipeline_mode<synchronous>, transform_indices = @transform_6, window_bounds = array<i64: 1, 1>}]} {
    %eq3A = arith.constant 0 : i32
    %eq3A_0 = arith.cmpi eq, %arg0, %eq3A : i32
    %convert_element_type3A = arith.extui %eq3A_0 : i1 to i32
    %cond3A = arith.constant 0 : i32
    %cond3A_1 = arith.cmpi ne, %convert_element_type3A, %cond3A : i32
    scf.if %cond3A_1 {
      %mul3A_154 = arith.constant 1024 : i32
      %mul3A_155 = arith.muli %arg1, %mul3A_154 : i32
      %dma_start3A = arith.constant 0 : i32
      %dma_start3A_156 = tpu.memref_slice %arg2[%mul3A_155, %dma_start3A] : memref<8192x256xf32, #tpu.memory_space<hbm>> -> memref<1024x256xf32, #tpu.memory_space<hbm>>
      tpu.enqueue_dma source(%dma_start3A_156 : memref<1024x256xf32, #tpu.memory_space<hbm>>) target(%arg10 : memref<1024x256xf32, #tpu.memory_space<vmem>>) target_semaphore(%arg17 : memref<!tpu.dma_semaphore, #tpu.memory_space<semaphore_mem>>)
      %dma_wait3A = arith.constant 0 : i32
      %dma_wait3A_157 = tpu.memref_slice %arg2[%mul3A_155, %dma_wait3A] : memref<8192x256xf32, #tpu.memory_space<hbm>> -> memref<1024x256xf32, #tpu.memory_space<hbm>>
      tpu.wait_dma2 semaphore(%arg17 : memref<!tpu.dma_semaphore, #tpu.memory_space<semaphore_mem>>) src(%dma_wait3A_157 : memref<1024x256xf32, #tpu.memory_space<hbm>>) dst(%arg10 : memref<1024x256xf32, #tpu.memory_space<vmem>>)
      %get3A_158 = arith.constant 0 : index
      %get3A_159 = arith.constant 0 : index
      %get3A_160 = vector.load %arg10[%get3A_158, %get3A_159] : memref<1024x256xf32, #tpu.memory_space<vmem>>, vector<1024x256xf32>
      %get3A_161 = arith.constant 0 : index
      %get3A_162 = arith.constant 0 : index
      %get3A_163 = vector.load %arg3[%get3A_161, %get3A_162] : memref<256x256xf32, #tpu.memory_space<vmem>>, vector<256x256xf32>
      %dot_general3A_164 = arith.constant dense<0.000000e+00> : vector<1024x256xf32>
      %dot_general3A_165 = tpu.matmul %get3A_160, %get3A_163, %dot_general3A_164 {dimension_numbers = #tpu.dot_dimension_numbers<[1], [1], [0], [0], [0, 0, 1, 0], [], []>, transpose_lhs_hint = false} : vector<1024x256xf32>, vector<256x256xf32>, vector<1024x256xf32> -> vector<1024x256xf32>
      %get3A_166 = arith.constant 0 : index
      %get3A_167 = arith.constant 0 : index
      %get3A_168 = vector.load %arg4[%get3A_166, %get3A_167] : memref<1x256xf32, #tpu.memory_space<vmem>>, vector<1x256xf32>
      %add3A_169 = vector.broadcast %get3A_168 : vector<1x256xf32> to vector<1024x256xf32>
      %add3A_170 = arith.addf %dot_general3A_165, %add3A_169 : vector<1024x256xf32>
      %mul3A_171 = arith.constant 1024 : i32
      %mul3A_172 = arith.muli %arg1, %mul3A_171 : i32
      %swap3A = arith.index_cast %mul3A_172 : i32 to index
      %swap3A_173 = arith.constant 0 : index
      %swap3A_174 = vector.load %arg6[%swap3A, %swap3A_173] : memref<8192x256xf32, #tpu.memory_space<vmem>>, vector<1024x256xf32>
      tpu.vector_store %arg6[%swap3A, %swap3A_173], %add3A_170 {strides = array<i32>} : memref<8192x256xf32, #tpu.memory_space<vmem>>, vector<1024x256xf32>,
      %convert_element_type3A_175 = arith.truncf %add3A_170 : vector<1024x256xf32> to vector<1024x256xbf16>
      %mul3A_176 = arith.constant 1024 : i32
      %mul3A_177 = arith.muli %arg1, %mul3A_176 : i32
      %swap3A_178 = arith.index_cast %mul3A_177 : i32 to index
      %swap3A_179 = arith.constant 0 : index
      %swap3A_180 = vector.load %arg11[%swap3A_178, %swap3A_179] : memref<8192x256xbf16, #tpu.memory_space<vmem>>, vector<1024x256xbf16>
      tpu.vector_store %arg11[%swap3A_178, %swap3A_179], %convert_element_type3A_175 {strides = array<i32>} : memref<8192x256xbf16, #tpu.memory_space<vmem>>, vector<1024x256xbf16>,
      %mul3A_181 = arith.mulf %add3A_170, %add3A_170 : vector<1024x256xf32>
      %reduce_sum3A = arith.constant dense<0.000000e+00> : vector<1024xf32>
      %reduce_sum3A_182 = vector.multi_reduction <add>, %mul3A_181, %reduce_sum3A [1] : vector<1024x256xf32> to vector<1024xf32>
      %broadcast_in_dim3A_183 = vector.shape_cast %reduce_sum3A_182 : vector<1024xf32> to vector<1024x1xf32>
      %mul3A_184 = arith.constant 1024 : i32
      %mul3A_185 = arith.muli %arg1, %mul3A_184 : i32
      %swap3A_186 = arith.index_cast %mul3A_185 : i32 to index
      %swap3A_187 = arith.constant 0 : index
      %swap3A_188 = vector.load %arg9[%swap3A_186, %swap3A_187] : memref<8192x1xf32, #tpu.memory_space<vmem>>, vector<1024x1xf32>
      tpu.vector_store %arg9[%swap3A_186, %swap3A_187], %broadcast_in_dim3A_183 {strides = array<i32>} : memref<8192x1xf32, #tpu.memory_space<vmem>>, vector<1024x1xf32>,
    } else {
    }
    %eq3A_2 = arith.constant 0 : i32
    %eq3A_3 = arith.cmpi eq, %arg1, %eq3A_2 : i32
    %convert_element_type3A_4 = arith.extui %eq3A_3 : i1 to i32
    %cond3A_5 = arith.constant 0 : i32
    %cond3A_6 = arith.cmpi ne, %convert_element_type3A_4, %cond3A_5 : i32
    scf.if %cond3A_6 {
      %get3A_154 = arith.constant 0 : index
      %get3A_155 = arith.constant 0 : index
      %get3A_156 = vector.load %arg5[%get3A_154, %get3A_155] : memref<4608x256xf32, #tpu.memory_space<vmem>>, vector<4608x256xf32>
      %mul3A_157 = arith.constant -2.000000e+00 : f32
      %mul3A_158 = vector.broadcast %mul3A_157 : f32 to vector<4608x256xf32>
      %mul3A_159 = arith.mulf %get3A_156, %mul3A_158 : vector<4608x256xf32>
      %convert_element_type3A_160 = arith.truncf %mul3A_159 : vector<4608x256xf32> to vector<4608x256xbf16>
      %swap3A = arith.constant 0 : index
      %swap3A_161 = arith.constant 0 : index
      %swap3A_162 = vector.load %arg12[%swap3A, %swap3A_161] : memref<4608x256xbf16, #tpu.memory_space<vmem>>, vector<4608x256xbf16>
      tpu.vector_store %arg12[%swap3A, %swap3A_161], %convert_element_type3A_160 {strides = array<i32>} : memref<4608x256xbf16, #tpu.memory_space<vmem>>, vector<4608x256xbf16>,
      %mul3A_163 = arith.mulf %get3A_156, %get3A_156 : vector<4608x256xf32>
      %reduce_sum3A = arith.constant dense<0.000000e+00> : vector<4608xf32>
      %reduce_sum3A_164 = vector.multi_reduction <add>, %mul3A_163, %reduce_sum3A [1] : vector<4608x256xf32> to vector<4608xf32>
      %broadcast_in_dim3A_165 = vector.shape_cast %reduce_sum3A_164 : vector<4608xf32> to vector<4608x1xf32>
      %reshape3A = vector.shape_cast %broadcast_in_dim3A_165 : vector<4608x1xf32> to vector<1x4608xf32>
      %swap3A_166 = arith.constant 0 : index
      %swap3A_167 = arith.constant 0 : index
      %swap3A_168 = vector.load %arg13[%swap3A_166, %swap3A_167] : memref<1x4608xf32, #tpu.memory_space<vmem>>, vector<1x4608xf32>
      tpu.vector_store %arg13[%swap3A_166, %swap3A_167], %reshape3A {strides = array<i32>} : memref<1x4608xf32, #tpu.memory_space<vmem>>, vector<1x4608xf32>,
    } else {
    }
    %get3A = arith.constant 0 : index
    %get3A_7 = arith.constant 0 : index
    %get3A_8 = vector.load %arg12[%get3A, %get3A_7] : memref<4608x256xbf16, #tpu.memory_space<vmem>>, vector<4608x256xbf16>
    %get3A_9 = arith.constant 0 : index
    %get3A_10 = arith.constant 0 : index
    %get3A_11 = vector.load %arg13[%get3A_9, %get3A_10] : memref<1x4608xf32, #tpu.memory_space<vmem>>, vector<1x4608xf32>
    %mul3A = arith.constant 1024 : i32
    %mul3A_12 = arith.muli %arg1, %mul3A : i32
    %add3A = arith.constant 0 : i32
    %add3A_13 = arith.addi %mul3A_12, %add3A : i32
    %get3A_14 = arith.index_cast %add3A_13 : i32 to index
    %get3A_15 = arith.constant 0 : index
    %get3A_16 = vector.load %arg11[%get3A_14, %get3A_15] : memref<8192x256xbf16, #tpu.memory_space<vmem>>, vector<256x256xbf16>
    %dot_general3A = arith.constant dense<0.000000e+00> : vector<256x4608xf32>
    %dot_general3A_17 = tpu.matmul %get3A_16, %get3A_8, %dot_general3A {dimension_numbers = #tpu.dot_dimension_numbers<[1], [1], [0], [0], [0, 0, 1, 0], [], []>, transpose_lhs_hint = false} : vector<256x256xbf16>, vector<4608x256xbf16>, vector<256x4608xf32> -> vector<256x4608xf32>
    %get3A_18 = arith.index_cast %add3A_13 : i32 to index
    %get3A_19 = arith.constant 0 : index
    %get3A_20 = vector.load %arg9[%get3A_18, %get3A_19] : memref<8192x1xf32, #tpu.memory_space<vmem>>, vector<256x1xf32>
    %add3A_21 = vector.broadcast %get3A_11 : vector<1x4608xf32> to vector<256x4608xf32>
    %add3A_22 = vector.broadcast %get3A_20 : vector<256x1xf32> to vector<256x4608xf32>
    %add3A_23 = arith.addf %add3A_21, %add3A_22 : vector<256x4608xf32>
    %add3A_24 = arith.addf %add3A_23, %dot_general3A_17 : vector<256x4608xf32>
    %reduce_min3A = arith.constant dense<0x7F800000> : vector<4608xf32>
    %reduce_min3A_25 = vector.multi_reduction <minimumf>, %add3A_24, %reduce_min3A [0] : vector<256x4608xf32> to vector<4608xf32>
    %broadcast_in_dim3A = vector.shape_cast %reduce_min3A_25 : vector<4608xf32> to vector<1x4608xf32>
    %iota3A = tpu.iota {dimensions = array<i32: 0>} : vector<256x4608xi32>
    %convert_element_type3A_26 = arith.sitofp %iota3A : vector<256x4608xi32> to vector<256x4608xf32>
    %eq3A_27 = vector.broadcast %broadcast_in_dim3A : vector<1x4608xf32> to vector<256x4608xf32>
    %eq3A_28 = arith.cmpf oeq, %add3A_24, %eq3A_27 : vector<256x4608xf32>
    %jit3A = arith.constant 0x7F800000 : f32
    %broadcast_in_dim3A_29 = vector.broadcast %jit3A : f32 to vector<256x4608xf32>
    %select_n3A = arith.select %eq3A_28, %convert_element_type3A_26, %broadcast_in_dim3A_29 : vector<256x4608xi1>, vector<256x4608xf32>
    %reduce_min3A_30 = arith.constant dense<0x7F800000> : vector<4608xf32>
    %reduce_min3A_31 = vector.multi_reduction <minimumf>, %select_n3A, %reduce_min3A_30 [0] : vector<256x4608xf32> to vector<4608xf32>
    %broadcast_in_dim3A_32 = vector.shape_cast %reduce_min3A_31 : vector<4608xf32> to vector<1x4608xf32>
    %convert_element_type3A_33 = arith.sitofp %add3A_13 : i32 to f32
    %add3A_34 = vector.broadcast %convert_element_type3A_33 : f32 to vector<1x4608xf32>
    %add3A_35 = arith.addf %broadcast_in_dim3A_32, %add3A_34 : vector<1x4608xf32>
    %mul3A_36 = arith.constant 1024 : i32
    %mul3A_37 = arith.muli %arg1, %mul3A_36 : i32
    %add3A_38 = arith.constant 256 : i32
    %add3A_39 = arith.addi %mul3A_37, %add3A_38 : i32
    %get3A_40 = arith.index_cast %add3A_39 : i32 to index
    %get3A_41 = arith.constant 0 : index
    %get3A_42 = vector.load %arg11[%get3A_40, %get3A_41] : memref<8192x256xbf16, #tpu.memory_space<vmem>>, vector<256x256xbf16>
    %dot_general3A_43 = arith.constant dense<0.000000e+00> : vector<256x4608xf32>
    %dot_general3A_44 = tpu.matmul %get3A_42, %get3A_8, %dot_general3A_43 {dimension_numbers = #tpu.dot_dimension_numbers<[1], [1], [0], [0], [0, 0, 1, 0], [], []>, transpose_lhs_hint = false} : vector<256x256xbf16>, vector<4608x256xbf16>, vector<256x4608xf32> -> vector<256x4608xf32>
    %get3A_45 = arith.index_cast %add3A_39 : i32 to index
    %get3A_46 = arith.constant 0 : index
    %get3A_47 = vector.load %arg9[%get3A_45, %get3A_46] : memref<8192x1xf32, #tpu.memory_space<vmem>>, vector<256x1xf32>
    %add3A_48 = vector.broadcast %get3A_11 : vector<1x4608xf32> to vector<256x4608xf32>
    %add3A_49 = vector.broadcast %get3A_47 : vector<256x1xf32> to vector<256x4608xf32>
    %add3A_50 = arith.addf %add3A_48, %add3A_49 : vector<256x4608xf32>
    %add3A_51 = arith.addf %add3A_50, %dot_general3A_44 : vector<256x4608xf32>
    %reduce_min3A_52 = arith.constant dense<0x7F800000> : vector<4608xf32>
    %reduce_min3A_53 = vector.multi_reduction <minimumf>, %add3A_51, %reduce_min3A_52 [0] : vector<256x4608xf32> to vector<4608xf32>
    %broadcast_in_dim3A_54 = vector.shape_cast %reduce_min3A_53 : vector<4608xf32> to vector<1x4608xf32>
    %iota3A_55 = tpu.iota {dimensions = array<i32: 0>} : vector<256x4608xi32>
    %convert_element_type3A_56 = arith.sitofp %iota3A_55 : vector<256x4608xi32> to vector<256x4608xf32>
    %eq3A_57 = vector.broadcast %broadcast_in_dim3A_54 : vector<1x4608xf32> to vector<256x4608xf32>
    %eq3A_58 = arith.cmpf oeq, %add3A_51, %eq3A_57 : vector<256x4608xf32>
    %jit3A_59 = arith.constant 0x7F800000 : f32
    %broadcast_in_dim3A_60 = vector.broadcast %jit3A_59 : f32 to vector<256x4608xf32>
    %select_n3A_61 = arith.select %eq3A_58, %convert_element_type3A_56, %broadcast_in_dim3A_60 : vector<256x4608xi1>, vector<256x4608xf32>
    %reduce_min3A_62 = arith.constant dense<0x7F800000> : vector<4608xf32>
    %reduce_min3A_63 = vector.multi_reduction <minimumf>, %select_n3A_61, %reduce_min3A_62 [0] : vector<256x4608xf32> to vector<4608xf32>
    %broadcast_in_dim3A_64 = vector.shape_cast %reduce_min3A_63 : vector<4608xf32> to vector<1x4608xf32>
    %convert_element_type3A_65 = arith.sitofp %add3A_39 : i32 to f32
    %add3A_66 = vector.broadcast %convert_element_type3A_65 : f32 to vector<1x4608xf32>
    %add3A_67 = arith.addf %broadcast_in_dim3A_64, %add3A_66 : vector<1x4608xf32>
    %lt3A = arith.cmpf olt, %broadcast_in_dim3A_54, %broadcast_in_dim3A : vector<1x4608xf32>
    %select_n3A_68 = arith.select %lt3A, %add3A_67, %add3A_35 : vector<1x4608xi1>, vector<1x4608xf32>
    %select_n3A_69 = arith.select %lt3A, %broadcast_in_dim3A_54, %broadcast_in_dim3A : vector<1x4608xi1>, vector<1x4608xf32>
    %mul3A_70 = arith.constant 1024 : i32
    %mul3A_71 = arith.muli %arg1, %mul3A_70 : i32
    %add3A_72 = arith.constant 512 : i32
    %add3A_73 = arith.addi %mul3A_71, %add3A_72 : i32
    %get3A_74 = arith.index_cast %add3A_73 : i32 to index
    %get3A_75 = arith.constant 0 : index
    %get3A_76 = vector.load %arg11[%get3A_74, %get3A_75] : memref<8192x256xbf16, #tpu.memory_space<vmem>>, vector<256x256xbf16>
    %dot_general3A_77 = arith.constant dense<0.000000e+00> : vector<256x4608xf32>
    %dot_general3A_78 = tpu.matmul %get3A_76, %get3A_8, %dot_general3A_77 {dimension_numbers = #tpu.dot_dimension_numbers<[1], [1], [0], [0], [0, 0, 1, 0], [], []>, transpose_lhs_hint = false} : vector<256x256xbf16>, vector<4608x256xbf16>, vector<256x4608xf32> -> vector<256x4608xf32>
    %get3A_79 = arith.index_cast %add3A_73 : i32 to index
    %get3A_80 = arith.constant 0 : index
    %get3A_81 = vector.load %arg9[%get3A_79, %get3A_80] : memref<8192x1xf32, #tpu.memory_space<vmem>>, vector<256x1xf32>
    %add3A_82 = vector.broadcast %get3A_11 : vector<1x4608xf32> to vector<256x4608xf32>
    %add3A_83 = vector.broadcast %get3A_81 : vector<256x1xf32> to vector<256x4608xf32>
    %add3A_84 = arith.addf %add3A_82, %add3A_83 : vector<256x4608xf32>
    %add3A_85 = arith.addf %add3A_84, %dot_general3A_78 : vector<256x4608xf32>
    %reduce_min3A_86 = arith.constant dense<0x7F800000> : vector<4608xf32>
    %reduce_min3A_87 = vector.multi_reduction <minimumf>, %add3A_85, %reduce_min3A_86 [0] : vector<256x4608xf32> to vector<4608xf32>
    %broadcast_in_dim3A_88 = vector.shape_cast %reduce_min3A_87 : vector<4608xf32> to vector<1x4608xf32>
    %iota3A_89 = tpu.iota {dimensions = array<i32: 0>} : vector<256x4608xi32>
    %convert_element_type3A_90 = arith.sitofp %iota3A_89 : vector<256x4608xi32> to vector<256x4608xf32>
    %eq3A_91 = vector.broadcast %broadcast_in_dim3A_88 : vector<1x4608xf32> to vector<256x4608xf32>
    %eq3A_92 = arith.cmpf oeq, %add3A_85, %eq3A_91 : vector<256x4608xf32>
    %jit3A_93 = arith.constant 0x7F800000 : f32
    %broadcast_in_dim3A_94 = vector.broadcast %jit3A_93 : f32 to vector<256x4608xf32>
    %select_n3A_95 = arith.select %eq3A_92, %convert_element_type3A_90, %broadcast_in_dim3A_94 : vector<256x4608xi1>, vector<256x4608xf32>
    %reduce_min3A_96 = arith.constant dense<0x7F800000> : vector<4608xf32>
    %reduce_min3A_97 = vector.multi_reduction <minimumf>, %select_n3A_95, %reduce_min3A_96 [0] : vector<256x4608xf32> to vector<4608xf32>
    %broadcast_in_dim3A_98 = vector.shape_cast %reduce_min3A_97 : vector<4608xf32> to vector<1x4608xf32>
    %convert_element_type3A_99 = arith.sitofp %add3A_73 : i32 to f32
    %add3A_100 = vector.broadcast %convert_element_type3A_99 : f32 to vector<1x4608xf32>
    %add3A_101 = arith.addf %broadcast_in_dim3A_98, %add3A_100 : vector<1x4608xf32>
    %lt3A_102 = arith.cmpf olt, %broadcast_in_dim3A_88, %select_n3A_69 : vector<1x4608xf32>
    %select_n3A_103 = arith.select %lt3A_102, %add3A_101, %select_n3A_68 : vector<1x4608xi1>, vector<1x4608xf32>
    %select_n3A_104 = arith.select %lt3A_102, %broadcast_in_dim3A_88, %select_n3A_69 : vector<1x4608xi1>, vector<1x4608xf32>
    %mul3A_105 = arith.constant 1024 : i32
    %mul3A_106 = arith.muli %arg1, %mul3A_105 : i32
    %add3A_107 = arith.constant 768 : i32
    %add3A_108 = arith.addi %mul3A_106, %add3A_107 : i32
    %get3A_109 = arith.index_cast %add3A_108 : i32 to index
    %get3A_110 = arith.constant 0 : index
    %get3A_111 = vector.load %arg11[%get3A_109, %get3A_110] : memref<8192x256xbf16, #tpu.memory_space<vmem>>, vector<256x256xbf16>
    %dot_general3A_112 = arith.constant dense<0.000000e+00> : vector<256x4608xf32>
    %dot_general3A_113 = tpu.matmul %get3A_111, %get3A_8, %dot_general3A_112 {dimension_numbers = #tpu.dot_dimension_numbers<[1], [1], [0], [0], [0, 0, 1, 0], [], []>, transpose_lhs_hint = false} : vector<256x256xbf16>, vector<4608x256xbf16>, vector<256x4608xf32> -> vector<256x4608xf32>
    %get3A_114 = arith.index_cast %add3A_108 : i32 to index
    %get3A_115 = arith.constant 0 : index
    %get3A_116 = vector.load %arg9[%get3A_114, %get3A_115] : memref<8192x1xf32, #tpu.memory_space<vmem>>, vector<256x1xf32>
    %add3A_117 = vector.broadcast %get3A_11 : vector<1x4608xf32> to vector<256x4608xf32>
    %add3A_118 = vector.broadcast %get3A_116 : vector<256x1xf32> to vector<256x4608xf32>
    %add3A_119 = arith.addf %add3A_117, %add3A_118 : vector<256x4608xf32>
    %add3A_120 = arith.addf %add3A_119, %dot_general3A_113 : vector<256x4608xf32>
    %reduce_min3A_121 = arith.constant dense<0x7F800000> : vector<4608xf32>
    %reduce_min3A_122 = vector.multi_reduction <minimumf>, %add3A_120, %reduce_min3A_121 [0] : vector<256x4608xf32> to vector<4608xf32>
    %broadcast_in_dim3A_123 = vector.shape_cast %reduce_min3A_122 : vector<4608xf32> to vector<1x4608xf32>
    %iota3A_124 = tpu.iota {dimensions = array<i32: 0>} : vector<256x4608xi32>
    %convert_element_type3A_125 = arith.sitofp %iota3A_124 : vector<256x4608xi32> to vector<256x4608xf32>
    %eq3A_126 = vector.broadcast %broadcast_in_dim3A_123 : vector<1x4608xf32> to vector<256x4608xf32>
    %eq3A_127 = arith.cmpf oeq, %add3A_120, %eq3A_126 : vector<256x4608xf32>
    %jit3A_128 = arith.constant 0x7F800000 : f32
    %broadcast_in_dim3A_129 = vector.broadcast %jit3A_128 : f32 to vector<256x4608xf32>
    %select_n3A_130 = arith.select %eq3A_127, %convert_element_type3A_125, %broadcast_in_dim3A_129 : vector<256x4608xi1>, vector<256x4608xf32>
    %reduce_min3A_131 = arith.constant dense<0x7F800000> : vector<4608xf32>
    %reduce_min3A_132 = vector.multi_reduction <minimumf>, %select_n3A_130, %reduce_min3A_131 [0] : vector<256x4608xf32> to vector<4608xf32>
    %broadcast_in_dim3A_133 = vector.shape_cast %reduce_min3A_132 : vector<4608xf32> to vector<1x4608xf32>
    %convert_element_type3A_134 = arith.sitofp %add3A_108 : i32 to f32
    %add3A_135 = vector.broadcast %convert_element_type3A_134 : f32 to vector<1x4608xf32>
    %add3A_136 = arith.addf %broadcast_in_dim3A_133, %add3A_135 : vector<1x4608xf32>
    %lt3A_137 = arith.cmpf olt, %broadcast_in_dim3A_123, %select_n3A_104 : vector<1x4608xf32>
    %select_n3A_138 = arith.select %lt3A_137, %add3A_136, %select_n3A_103 : vector<1x4608xi1>, vector<1x4608xf32>
    %select_n3A_139 = arith.select %lt3A_137, %broadcast_in_dim3A_123, %select_n3A_104 : vector<1x4608xi1>, vector<1x4608xf32>
    %eq3A_140 = arith.constant 0 : i32
    %eq3A_141 = arith.cmpi eq, %arg1, %eq3A_140 : i32
    %convert_element_type3A_142 = arith.extui %eq3A_141 : i1 to i32
    %cond3A_143 = arith.constant 0 : i32
    %cond3A_144 = arith.cmpi ne, %convert_element_type3A_142, %cond3A_143 : i32
    scf.if %cond3A_144 {
      %swap3A = arith.constant 0 : index
      %swap3A_154 = arith.constant 0 : index
      %swap3A_155 = vector.load %arg14[%swap3A, %swap3A_154] : memref<1x4608xf32, #tpu.memory_space<vmem>>, vector<1x4608xf32>
      tpu.vector_store %arg14[%swap3A, %swap3A_154], %select_n3A_139 {strides = array<i32>} : memref<1x4608xf32, #tpu.memory_space<vmem>>, vector<1x4608xf32>,
      %swap3A_156 = arith.constant 0 : index
      %swap3A_157 = arith.constant 0 : index
      %swap3A_158 = vector.load %arg15[%swap3A_156, %swap3A_157] : memref<1x4608xf32, #tpu.memory_space<vmem>>, vector<1x4608xf32>
      tpu.vector_store %arg15[%swap3A_156, %swap3A_157], %select_n3A_138 {strides = array<i32>} : memref<1x4608xf32, #tpu.memory_space<vmem>>, vector<1x4608xf32>,
    } else {
    }
    %gt3A = arith.constant 0 : i32
    %gt3A_145 = arith.cmpi sgt, %arg1, %gt3A : i32
    %convert_element_type3A_146 = arith.extui %gt3A_145 : i1 to i32
    %cond3A_147 = arith.constant 0 : i32
    %cond3A_148 = arith.cmpi ne, %convert_element_type3A_146, %cond3A_147 : i32
    scf.if %cond3A_148 {
      %get3A_154 = arith.constant 0 : index
      %get3A_155 = arith.constant 0 : index
      %get3A_156 = vector.load %arg14[%get3A_154, %get3A_155] : memref<1x4608xf32, #tpu.memory_space<vmem>>, vector<1x4608xf32>
      %lt3A_157 = arith.cmpf olt, %select_n3A_139, %get3A_156 : vector<1x4608xf32>
      %get3A_158 = arith.constant 0 : index
      %get3A_159 = arith.constant 0 : index
      %get3A_160 = vector.load %arg15[%get3A_158, %get3A_159] : memref<1x4608xf32, #tpu.memory_space<vmem>>, vector<1x4608xf32>
      %select_n3A_161 = arith.select %lt3A_157, %select_n3A_138, %get3A_160 : vector<1x4608xi1>, vector<1x4608xf32>
      %swap3A = arith.constant 0 : index
      %swap3A_162 = arith.constant 0 : index
      %swap3A_163 = vector.load %arg15[%swap3A, %swap3A_162] : memref<1x4608xf32, #tpu.memory_space<vmem>>, vector<1x4608xf32>
      tpu.vector_store %arg15[%swap3A, %swap3A_162], %select_n3A_161 {strides = array<i32>} : memref<1x4608xf32, #tpu.memory_space<vmem>>, vector<1x4608xf32>,
      %get3A_164 = arith.constant 0 : index
      %get3A_165 = arith.constant 0 : index
      %get3A_166 = vector.load %arg14[%get3A_164, %get3A_165] : memref<1x4608xf32, #tpu.memory_space<vmem>>, vector<1x4608xf32>
      %select_n3A_167 = arith.select %lt3A_157, %select_n3A_139, %get3A_166 : vector<1x4608xi1>, vector<1x4608xf32>
      %swap3A_168 = arith.constant 0 : index
      %swap3A_169 = arith.constant 0 : index
      %swap3A_170 = vector.load %arg14[%swap3A_168, %swap3A_169] : memref<1x4608xf32, #tpu.memory_space<vmem>>, vector<1x4608xf32>
      tpu.vector_store %arg14[%swap3A_168, %swap3A_169], %select_n3A_167 {strides = array<i32>} : memref<1x4608xf32, #tpu.memory_space<vmem>>, vector<1x4608xf32>,
    } else {
    }
    %eq3A_149 = arith.constant 7 : i32
    %eq3A_150 = arith.cmpi eq, %arg1, %eq3A_149 : i32
    %convert_element_type3A_151 = arith.extui %eq3A_150 : i1 to i32
    %cond3A_152 = arith.constant 0 : i32
    %cond3A_153 = arith.cmpi ne, %convert_element_type3A_151, %cond3A_152 : i32
    scf.if %cond3A_153 {
      %get3A_154 = arith.constant 0 : index
      %get3A_155 = arith.constant 0 : index
      %get3A_156 = vector.load %arg15[%get3A_154, %get3A_155] : memref<1x4608xf32, #tpu.memory_space<vmem>>, vector<1x4608xf32>
      %convert_element_type3A_157 = arith.fptosi %get3A_156 : vector<1x4608xf32> to vector<1x4608xi32>
      %reshape3A = vector.shape_cast %convert_element_type3A_157 : vector<1x4608xi32> to vector<1x1x4608xi32>
      %swap3A = arith.constant 0 : index
      %swap3A_158 = arith.constant 0 : index
      %swap3A_159 = arith.constant 0 : index
      %swap3A_160 = vector.load %arg7[%swap3A, %swap3A_158, %swap3A_159] : memref<1x1x4608xi32, #tpu.memory_space<vmem>>, vector<1x1x4608xi32>
      tpu.vector_store %arg7[%swap3A, %swap3A_158, %swap3A_159], %reshape3A {strides = array<i32>} : memref<1x1x4608xi32, #tpu.memory_space<vmem>>, vector<1x1x4608xi32>,
      %get3A_161 = arith.constant 0 : index
      %get3A_162 = arith.constant 0 : index
      %get3A_163 = vector.load %arg14[%get3A_161, %get3A_162] : memref<1x4608xf32, #tpu.memory_space<vmem>>, vector<1x4608xf32>
      %reduce_sum3A = vector.shape_cast %get3A_163 : vector<1x4608xf32> to vector<1x1x4608xf32>
      %reduce_sum3A_164 = arith.constant dense<0.000000e+00> : vector<1xf32>
      %reduce_sum3A_165 = vector.multi_reduction <add>, %reduce_sum3A, %reduce_sum3A_164 [1, 2] : vector<1x1x4608xf32> to vector<1xf32>
      %reduce_sum3A_166 = vector.shape_cast %reduce_sum3A_165 : vector<1xf32> to vector<1x1x1xf32>
      %reduce_sum3A_167 = vector.extract %reduce_sum3A_166[0, 0, 0] : f32 from vector<1x1x1xf32>
      %eq3A_168 = arith.constant 0 : i32
      %eq3A_169 = arith.cmpi eq, %arg0, %eq3A_168 : i32
      %convert_element_type3A_170 = arith.extui %eq3A_169 : i1 to i32
      %cond3A_171 = arith.constant 0 : i32
      %cond3A_172 = arith.cmpi ne, %convert_element_type3A_170, %cond3A_171 : i32
      scf.if %cond3A_172 {
        %swap3A_183 = arith.constant 0 : index
        %swap3A_184 = memref.load %arg16[%swap3A_183] : memref<1xf32, #tpu.memory_space<smem>>
        memref.store %reduce_sum3A_167, %arg16[%swap3A_183] : memref<1xf32, #tpu.memory_space<smem>>
      } else {
      }
      %gt3A_173 = arith.constant 0 : i32
      %gt3A_174 = arith.cmpi sgt, %arg0, %gt3A_173 : i32
      %convert_element_type3A_175 = arith.extui %gt3A_174 : i1 to i32
      %cond3A_176 = arith.constant 0 : i32
      %cond3A_177 = arith.cmpi ne, %convert_element_type3A_175, %cond3A_176 : i32
      scf.if %cond3A_177 {
        %get3A_183 = arith.constant 0 : index
        %get3A_184 = memref.load %arg16[%get3A_183] : memref<1xf32, #tpu.memory_space<smem>>
        %add3A_185 = arith.addf %get3A_184, %reduce_sum3A_167 : f32
        %swap3A_186 = arith.constant 0 : index
        %swap3A_187 = memref.load %arg16[%swap3A_186] : memref<1xf32, #tpu.memory_space<smem>>
        memref.store %add3A_185, %arg16[%swap3A_186] : memref<1xf32, #tpu.memory_space<smem>>
      } else {
      }
      %eq3A_178 = arith.constant 3 : i32
      %eq3A_179 = arith.cmpi eq, %arg0, %eq3A_178 : i32
      %convert_element_type3A_180 = arith.extui %eq3A_179 : i1 to i32
      %cond3A_181 = arith.constant 0 : i32
      %cond3A_182 = arith.cmpi ne, %convert_element_type3A_180, %cond3A_181 : i32
      scf.if %cond3A_182 {
        %get3A_183 = arith.constant 0 : index
        %get3A_184 = memref.load %arg16[%get3A_183] : memref<1xf32, #tpu.memory_space<smem>>
        %div3A = arith.constant 0x4A900000 : f32
        %div3A_185 = arith.divf %get3A_184, %div3A : f32
        %mul3A_186 = arith.constant 2.500000e-01 : f32
        %mul3A_187 = arith.mulf %mul3A_186, %div3A_185 : f32
        %add3A_188 = arith.addf %div3A_185, %mul3A_187 : f32
        %reshape3A_189 = vector.broadcast %add3A_188 : f32 to vector<1x1xf32>
        %swap3A_190 = arith.constant 0 : index
        %swap3A_191 = arith.constant 0 : index
        %swap3A_192 = vector.load %arg8[%swap3A_190, %swap3A_191] : memref<1x1xf32, #tpu.memory_space<vmem>>, vector<1x1xf32>
        tpu.vector_store %arg8[%swap3A_190, %swap3A_191], %reshape3A_189 {strides = array<i32>} : memref<1x1xf32, #tpu.memory_space<vmem>>, vector<1x1xf32>,
      } else {
      }
    } else {
    }
    return
  }
  func.func @transform_1(%arg0: i32, %arg1: i32) -> (i32, i32) {
    %c0_i32 = arith.constant 0 : i32
    %c0_i32_0 = arith.constant 0 : i32
    %c0_i32_1 = arith.constant 0 : i32
    return %c0_i32, %c0_i32_0 : i32, i32
  }
  func.func @transform_2(%arg0: i32, %arg1: i32) -> (i32, i32) {
    %c0_i32 = arith.constant 0 : i32
    %c0_i32_0 = arith.constant 0 : i32
    %c0_i32_1 = arith.constant 0 : i32
    return %c0_i32, %c0_i32_0 : i32, i32
  }
  func.func @transform_3(%arg0: i32, %arg1: i32) -> (i32, i32) {
    %c0_i32 = arith.constant 0 : i32
    %c0_i32_0 = arith.constant 0 : i32
    return %arg0, %c0_i32 : i32, i32
  }
  func.func @transform_4(%arg0: i32, %arg1: i32) -> (i32, i32) {
    %c0_i32 = arith.constant 0 : i32
    %c0_i32_0 = arith.constant 0 : i32
    %c0_i32_1 = arith.constant 0 : i32
    return %c0_i32, %c0_i32_0 : i32, i32
  }
  func.func @transform_5(%arg0: i32, %arg1: i32) -> (i32, i32, i32) {
    %c0_i32 = arith.constant 0 : i32
    %c0_i32_0 = arith.constant 0 : i32
    %c0_i32_1 = arith.constant 0 : i32
    return %arg0, %c0_i32, %c0_i32_0 : i32, i32, i32
  }
  func.func @transform_6(%arg0: i32, %arg1: i32) -> (i32, i32) {
    %c0_i32 = arith.constant 0 : i32
    %c0_i32_0 = arith.constant 0 : i32
    %c0_i32_1 = arith.constant 0 : i32
    return %c0_i32, %c0_i32_0 : i32, i32
  }
}

</mosaic_0001>

<sc_bundles>
// kernel: kernel.4.cloned.1.call-start
scs
__scs_entry_jumppad:
0x0: {  	(pc) =	sbr.rel $0x88, $3  }
0x1: {  	(tag) =	ssettag $0x0;
	lr =	simm.s32 $0x1  }
0x2: {  	[smem:$0x3F9D] =	sst lr;
	_ =	strace $0xD0000000  }
0x3: {  	_ = 	snop  }
0x4: {  	_ = 	snop  }
0x5: {  	_ = 	snop  }
0x6: {  	_ = 	snop  }
0x7: {  	_ = 	snop  }
__scs_overlays_trampoline_lowered:
0x8: {  	[smem:$0x3FAC] =	sst s0  }
0x9: {  	[smem:$0x3FAD] =	sst s1  }
0xa: {  	[smem:$0x3FAE] =	sst s2  }
0xb: {  	[smem:$0x3FAF] =	sst s3  }
0xc: {  	[smem:$0x3FB0] =	sst s4  }
0xd: {  	[smem:$0x3FB1] =	sst s5  }
0xe: {  	[smem:$0x3FB2] =	sst s6  }
0xf: {  	[smem:$0x3FB3] =	sst s7  }
0x10: {  	[smem:$0x3FB4] =	sst s8  }
0x11: {  	[smem:$0x3FB5] =	sst s9;
	s0 =	simm.s32 @!p0 $0x0  }
0x12: {  	s1 =	sld [smem:$0x3F9B];
	s0 =	simm.s32 @p0 $0x1  }
0x13: {  	[smem:$0x3FB6] =	sst s0;
	s0 =	simm.s32 @!p1 $0x0  }
0x14: {  	s2 =	sld [smem:$0x3F9A];
	s0 =	simm.s32 @p1 $0x1  }
0x15: {  	[smem:$0x3FB7] =	sst s0;
	s0 =	simm.s32 @!p2 $0x0  }
0x16: {  	s3 =	sld [smem:$0x3FDB];
	s0 =	simm.s32 @p2 $0x1  }
0x17: {  	s4 =	simm.s32 $0x1BF5;
	[smem:$0x3FB9] =	sst s0  }
0x18: {  	s0 =	sld [smem:$0x3F9C];
	_ =	swait.ge [sflag:s4], $0x0  }
0x19: {  	s7 =	sld [smem:$0x3F9D]  }
0x1a: {  	s8 =	sadd.s32 $0xFFFFE003, lr  }
0x1b: {  	s9 =	sadd.s32 $0xFFFFFEF7, lr;
	s5 =	simm.s32 $0xFFFFFFFF;
	p2 =	slt.u32 s8, $0xFFFFF086  }
0x1c: {  	p1 =	slt.u32 s9, $0xF7A;
	s5 =	simm.s32 @!p2 $0x0  }
0x1d: {  	s5 =	simm.s32 @p1 $0x1;
	p0 =	seq.s32 s7, s2  }
0x1e: {  	s7 =	smul.u32 @!p0 $0xF7A, s2;
	p2 =	seq.s32 @!p0 s5, $0x0  }
0x1f: {  	s9 =	smul.u32 $0xF7A, s1;
	s8 =	simm.s32 @!p0 $0x1BF5;
	p2 =	por !p2, p0  }
0x20: {  	[sflag:s8] =	ssyncset.s32 @!p0 $0xFFFFF086;
	s6 =	sadd.s32 @!p0 s3, s7;
	s7 =	simm.s32 @!p0 $0x108  }
0x21: {  	s3 =	sadd.s32 s3, s9;
	s6 =	sadd.s32 @!p0 $0x88, s6;
	s7 =	simm.s32 @p2 $0x1082  }
0x22: {  	[simem:s7], [sflag:s8] =	dma.local @!p0 [hbm:s6], $0xF7A  }
0x23: {  	s9 =	sor.u32 $0xD0000000, s2;
	s6 =	simm.s32 $0x108;
	_ =	swait.ge @!p0 [sflag:s8], $0x0  }
0x24: {  	s3 =	sadd.s32 $0x88, s3;
	s6 =	simm.s32 @!p1 $0x1082;
	[sflag:s4] =	ssyncset.s32 $0xFFFFF086  }
0x25: {  	[simem:s6], [sflag:s4] =	dma.local [hbm:s3], $0xF7A  }
0x26: {  	[smem:$0x3F9D] =	sst s1;
	(tag) =	ssettag s2;
	_ =	strace s9  }
0x27: {  	s1 =	sld [smem:$0x3FAD]  }
0x28: {  	s2 =	sld [smem:$0x3FAE]  }
0x29: {  	s4 =	sld [smem:$0x3FB0]  }
0x2a: {  	p0 =	seq.s32 s5, $0x0;
	s5 =	sld [smem:$0x3FB1]  }
0x2b: {  	s6 =	sld [smem:$0x3FB2]  }
0x2c: {  	s7 =	sld [smem:$0x3FB3]  }
0x2d: {  	s3 =	simm.s32 $0x108;
	s8 =	sld [smem:$0x3FB4]  }
0x2e: {  	s3 =	simm.s32 @!p0 $0x1082;
	s9 =	sld [smem:$0x3FB5]  }
0x2f: {  	lr =	sadd.s32 s0, s3;
	s0 =	sld [smem:$0x3FAC]  }
0x30: {  	s3 =	sld [smem:$0x3FAF]  }
0x31: {  	[smem:$0x3FB8] =	sst s10  }
0x32: {  	s10 =	sld [smem:$0x3FB6];
	_ =	sdelay $0x3  }
0x33: {  	p0 =	seq.s32 s10, $0x1;
	s10 =	sld [smem:$0x3FB8];
	_ =	sdelay $0x3  }
0x34: {  	[smem:$0x3FB8] =	sst s10  }
0x35: {  	s10 =	sld [smem:$0x3FB7];
	_ =	sdelay $0x3  }
0x36: {  	p1 =	seq.s32 s10, $0x1;
	s10 =	sld [smem:$0x3FB8];
	_ =	sdelay $0x3  }
0x37: {  	[smem:$0x3FB8] =	sst s10  }
0x38: {  	s10 =	sld [smem:$0x3FB9]  }
0x39: {  	_ = 	snop;
	(pc) =	sbr.ind lr, $3  }
0x3a: {  	_ = 	snop  }
0x3b: {  	_ = 	snop  }
0x3c: {  	p2 =	seq.s32 s10, $0x1;
	s10 =	sld [smem:$0x3FB8]  }
0x3d: {  	_ =	shalt  }
0x3e: {  	_ =	shalt  }
0x3f: {  	_ =	shalt  }
0x40: {  	_ =	shalt  }
0x41: {  	_ =	shalt  }
0x42: {  	_ =	shalt  }
0x43: {  	_ =	shalt  }
0x44: {  	_ =	shalt  }
0x45: {  	_ =	shalt  }
0x46: {  	_ =	shalt  }
0x47: {  	_ =	shalt  }
0x48: {  	_ =	shalt  }
0x49: {  	_ =	shalt  }
0x4a: {  	_ =	shalt  }
0x4b: {  	_ =	shalt  }
0x4c: {  	_ =	shalt  }
0x4d: {  	_ =	shalt  }
0x4e: {  	_ =	shalt  }
0x4f: {  	_ =	shalt  }
0x50: {  	_ =	shalt  }
0x51: {  	_ =	shalt  }
0x52: {  	_ =	shalt  }
0x53: {  	_ =	shalt  }
0x54: {  	_ =	shalt  }
0x55: {  	_ =	shalt  }
0x56: {  	_ =	shalt  }
0x57: {  	_ =	shalt  }
0x58: {  	_ =	shalt  }
0x59: {  	_ =	shalt  }
0x5a: {  	_ =	shalt  }
0x5b: {  	_ =	shalt  }
0x5c: {  	_ =	shalt  }
0x5d: {  	_ =	shalt  }
0x5e: {  	_ =	shalt  }
0x5f: {  	_ =	shalt  }
0x60: {  	_ =	shalt  }
0x61: {  	_ =	shalt  }
0x62: {  	_ =	shalt  }
0x63: {  	_ =	shalt  }
0x64: {  	_ =	shalt  }
0x65: {  	_ =	shalt  }
0x66: {  	_ =	shalt  }
0x67: {  	_ =	shalt  }
0x68: {  	_ =	shalt  }
0x69: {  	_ =	shalt  }
0x6a: {  	_ =	shalt  }
0x6b: {  	_ =	shalt  }
0x6c: {  	_ =	shalt  }
0x6d: {  	_ =	shalt  }
0x6e: {  	_ =	shalt  }
0x6f: {  	_ =	shalt  }
0x70: {  	_ =	shalt  }
0x71: {  	_ =	shalt  }
0x72: {  	_ =	shalt  }
0x73: {  	_ =	shalt  }
0x74: {  	_ =	shalt  }
0x75: {  	_ =	shalt  }
0x76: {  	_ =	shalt  }
0x77: {  	_ =	shalt  }
0x78: {  	_ =	shalt  }
0x79: {  	_ =	shalt  }
0x7a: {  	_ =	shalt  }
0x7b: {  	_ =	shalt  }
0x7c: {  	_ =	shalt  }
0x7d: {  	_ =	shalt  }
0x7e: {  	_ =	shalt  }
0x7f: {  	_ =	shalt  }
0x80: {  	_ =	shalt  }
0x81: {  	_ =	shalt  }
0x82: {  	_ =	shalt  }
0x83: {  	_ =	shalt  }
0x84: {  	_ =	shalt  }
0x85: {  	_ =	shalt  }
0x86: {  	_ =	shalt  }
0x87: {  	_ =	shalt  }
.Lfunc_end0:
.L_simem_size_0:
called_computation_lowered:
.L_overlay_start_0:
0x88: {  	s2 =	sld [smem:$0x3FD9]  }
0x89: {  	s3 =	sld [smem:$0x3FFE];
	_ =	sdelay $0x1  }
0x8a: {  	s1 =	srdreg.scid  }
0x8b: {  	s0 =	sand.u32 $0x1, s1  }
0x8c: {  	s14 =	sshll.u32 s0, $0xA;
	s2 =	sadd.s32 s3, s2  }
0x8d: {  	s2 =	sadd.s32 s2, s14  }
0x8e: {  	[smem:$0x3FC4] =	sst s2  }
0x8f: {  	_ = 	snop  }
0x90: {  	s2 =	sld [smem:$0x3FD0];
	_ =	sdelay $0x2  }
0x91: {  	s15 =	simm.s32 $0xA;
	s4 =	simm.s32 $0x10  }
0x92: {  	[smem:s4], [sflag:s15] =	dma.local [hbm:s2], $0x1  }
0x93: {  	_ =	swait.eq [sflag:s15], $0x1  }
0x94: {  	[sflag:s15] =	ssyncset.done $0x0  }
0x95: {  	s16 =	sld [smem:$0x10];
	[sflag:s15] =	ssyncadd.s32 $0xFFFFFFFF  }
0x96: {  	s17 =	sld [smem:$0x12];
	(tm) =	ssettm $0x1  }
0x97: {  	s18 =	sld [smem:$0x3FFB];
	_ =	sdelay $0x3  }
0x98: {  	_ =	strace s18  }
0x99: {  	s4 =	sld [smem:$0x3FFC];
	_ =	sdelay $0x3  }
0x9a: {  	_ =	strace s4  }
0x9b: {  	s4 =	sld [smem:$0x3FFD];
	_ =	sdelay $0x3  }
0x9c: {  	_ =	strace s4  }
0x9d: {  	_ =	strace $0x8FFFFFFF  }
0x9e: {  	s19 =	sld [smem:$0x3FDB];
	_ =	sdelay $0x1  }
0x9f: {  	s5 =	simm.s32 $_scs_section_size  }
0xa0: {  	s6 =	simm.s32 $_size__tile_overlayer_lowered;
	s7 =	simm.s32 $_tile_overlayer_lowered  }
0xa1: {  	s22 =	simm.s32 $0x1BFF;
	s21 =	sshll.u32 s7, $0x1;
	s4 =	sadd.s32 s5, s19  }
0xa2: {  	s8 =	simm.s32 $0x0;
	s20 =	sshll.u32 s6, $0x1;
	s6 =	sadd.s32 s21, s4  }
0xa3: {  	[timem:s8], [sflag:s22] =	dma.local [hbm:s6], s20  }
0xa4: {  	_ =	swait.ge [sflag:s22], s20  }
0xa5: {  	s5 =	ssub.s32 $0x0, s20;
	[sflag:s22] =	ssyncset.done $0x0  }
0xa6: {  	[sflag:s22] =	ssyncadd.s32 s5;
	_ =	sdelay $0x1  }
0xa7: {  	s23 =	simm.s32 $0x1B8B  }
0xa8: {  	_ =	swait.ge [sflag:s23], $0x1  }
0xa9: {  	[sflag:s23] =	ssyncset.done $0x0  }
0xaa: {  	s25 =	simm.s32 $0x1B8E;
	s24 =	sld [smem:$0x3FFE];
	[sflag:s23] =	ssyncadd.s32 $0xFFFFFFFF  }
0xab: {  	s26 =	simm.s32 $execute0_lowered;
	[smem:$0x3FD2] =	sst s25  }
0xac: {  	s6 =	sshll.u32 s26, $0x1;
	_ =	strace $0x80000046;
	[dreg:$0x1] =	wrdreg $0xFFFFFFFF  }
0xad: {  	s28 =	simm.s32 $_size_execute0_lowered;
	s4 =	sadd.s32 s4, s6;
	[dreg:$0x0] =	wrdreg $0x0  }
0xae: {  	s6 =	sshll.u32 s28, $0x1;
	[dreg:$0x2] =	wrdreg s4  }
0xaf: {  	[dreg:$0x3] =	wrdreg s6  }
0xb0: {  	[dreg:$0x4] =	wrdreg $0xC0  }
0xb1: {  	_ =	task [dreg:s8], $0x5FFFF  }
0xb2: {  	[dreg:$0x1] =	wrdreg $0xFFFFFFFF  }
0xb3: {  	[dreg:$0x0] =	wrdreg $0x60  }
0xb4: {  	[dreg:$0x2] =	wrdreg s24  }
0xb5: {  	[dreg:$0x3] =	wrdreg s17  }
0xb6: {  	[dreg:$0x4] =	wrdreg s16  }
0xb7: {  	[dreg:$0x5] =	wrdreg $0x9  }
0xb8: {  	_ =	task.clear_ibuf [dreg:s8], $0x6FFFF;
	_ =	strace $0x90000046  }
0xb9: {  	s29 =	simm.s32 $0x9;
	_ =	strace $0x80000048  }
0xba: {  	_ =	swait.ge [sflag:s29], $0x1  }
0xbb: {  	[sflag:s29] =	ssyncadd.s32 $0xFFFFFFFF  }
0xbc: {  	_ =	strace $0x90000048  }
0xbd: {  	_ =	sfence  }
0xbe: {  	s30 =	sld [smem:$0x0];
	_ =	sdelay $0x2  }
0xbf: {  	s31 =	sshll.u32 s1, $0xD;
	s1 =	sshrl.u32 s1, $0x2  }
0xc0: {  	s3 =	sand.u32 $0x4000, s31;
	s1 =	sadd.s32 s1, s30  }
0xc1: {  	s0 =	sor.u32 s3, s0;
	s1 =	sshll.u32 s1, $0x11  }
0xc2: {  	s0 =	sor.u32 s1, s0  }
0xc3: {  	s0 =	sadd.s32 $0x8F2B, s0  }
0xc4: {  	[sflag:s0] =	ssyncadd.remote.s32 $0x1  }
0xc5: {  	_ =	sfence.sel $0xFFFF  }
0xc6: {  	[dreg:$0x0] =	wrdreg $0xFFFFFFFF;
	(pc) =	sbr.abs _section_cstart, $3  }
0xc7: {  	[dreg:$0x1] =	wrdreg $0xFFFFFFFF  }
0xc8: {  	_ =	task.clear_ibuf [dreg:s8], $0x2FFFF;
	_ =	strace $0x9FFFFFFF  }
0xc9: {  	(tm) =	ssettm $0x7FFFFFFF  }
tec
execute0_lowered:
.L_overlay_start_1:
0x0: {  	(tag) =	ssettag $0x1  }
0x1: {  	s1 =	rddreg [dreg:$0x0]  }
0x2: {  	s2 =	srdreg.scid;
	s4 =	rddreg [dreg:$0x1]  }
0x3: {  	s0 =	stileid.u32;
	s6 =	rddreg [dreg:$0x2]  }
0x4: {  	s10 =	simm.s32 $0x1900;
	s11 =	simm.s32 $0x2100;
	s12 =	simm.s32 $0x2900  }
0x5: {  	s13 =	simm.s32 $0x3100;
	s14 =	simm.s32 $0x3900;
	s15 =	simm.s32 $0x4100  }
0x6: {  	s16 =	simm.s32 $0x4900;
	s28 =	simm.s32 $0xA100;
	s29 =	simm.s32 $0xA900  }
0x7: {  	s30 =	simm.s32 $0xB100;
	s5 =	sand.u32 $0x1, s2;
	s17 =	sshll.u32 s0, $0x1  }
0x8: {  	s31 =	simm.s32 $0xB900;
	s2 =	simm.s32 $0x0;
	s3 =	sor.u32 s5, s17  }
0x9: {  	[smem:$0x7FF] =	sst s2;
	s18 =	ssub.s32 $0x2, s5;
	s17 =	simm.s32 $0x5100  }
0xa: {  	s7 =	smul.u32 $0x240, s3;
	_ =	strace $0x80000047;
	s22 =	sshrl.u32 s18, $0x1  }
0xb: {  	s9 =	smul.u32 $0x4800, s3;
	s3 =	sadd.s32 $0xE00, s1;
	s1 =	ssub.s32 s18, s22  }
0xc: {  	s18 =	simm.s32 $0x5900;
	s22 =	simm.s32 $0x7900;
	s8 =	sshrl.u32 s7, $0x3  }
0xd: {  	s20 =	sadd.s32 s6, s9;
	s21 =	sadd.s32 $0xC0, s7;
	s7 =	sadd.s32 $0x180, s7  }
0xe: {  	s9 =	simm.s32 $0x1100;
	s19 =	sadd.s32 s4, s8;
	[dreg:$0x5] =	wrdreg s20  }
0xf: {  	s23 =	sshrl.u32 s21, $0x3;
	s8 =	sshll.u32 s21, $0x5;
	s25 =	sshrl.u32 s7, $0x3  }
0x10: {  	s26 =	sshll.u32 s7, $0x5;
	s7 =	simm.s32 $0x100;
	s20 =	simm.s32 $0x6900  }
0x11: {  	s21 =	simm.s32 $0x7100;
	[dreg:$0x4] =	wrdreg s19;
	s5 =	sadd.s32 s4, s23  }
0x12: {  	s24 =	sadd.s32 s6, s8;
	s4 =	sadd.s32 s4, s25;
	[dreg:$0x6] =	wrdreg s5  }
0x13: {  	s8 =	simm.s32 $0x900;
	s19 =	simm.s32 $0x6100;
	[dreg:$0x7] =	wrdreg s24  }
0x14: {  	v2 =	vlaneseq.u32;
	s23 =	simm.s32 $0x8100;
	s25 =	simm.s32 $0x9100;
	[dreg:$0x8] =	wrdreg s4  }
0x15: {  	vm0 =	vmmov $0xffff;
	v1 =	vshrl.u32 v2, $0x3;
	s4 =	sadd.s32 s6, s26;
	s5 =	smax.u32 s1, $0x1;
	s6 =	simm.s32 $0x2  }
0x16: {  	v0 =	vand.u32 $0x7, v2;
	v2 =	vor.u32 $0x8, v2;
	v1 =	vmul.u32 $0x8, v1;
	s24 =	simm.s32 $0x8900;
	s26 =	simm.s32 $0x9900;
	s1 =	simm.s32 $0x1  }
.LBB2_1:
0x17: {  	s0 =	rddreg [dreg:$0x4]  }
0x18: {  	[tilespmem:s2], [sflag:$0x2] =	stream.linear.gather [hbm4b:s0+s2], $0xC0, $0x38;
	[tilespmem:$0xC100] =	vst v63  }
0x19: {  	_ =	swait.ge [sflag:s6], $0xC0  }
0x1a: {  	[sflag:s6] =	ssyncset.done $0x0  }
0x1b: {  	[sflag:s6] =	ssyncadd.s32 $0xFFFFFF40  }
0x1c: {  	v3 =	vld [tilespmem:$0x0];
	_ =	sdelay $0x4  }
0x1d: {  	v4 =	vshll.u32 v3, $0x1  }
0x1e: {  	v3 =	vand.u32 $0x7, v3;
	v4 =	vand.u32 $0xFFFFFFF0, v4  }
0x1f: {  	v3 =	vor.u32 v3, v4  }
0x20: {  	v4 =	vperm.xlane v3, v0;
	_ =	sdelay $0x1  }
0x21: {  	v3 =	vperm.xlane v3, v2;
	v4 =	vadd.s32 v1, v4;
	_ =	sdelay $0x1  }
0x22: {  	v3 =	vadd.s32 v1, v3;
	_ =	sdelay $0x2  }
0x23: {  	[tilespmem:s7], [sflag:$0x1] =	stream.indirect_vreg.gather [hbm4b:s3+s2], $0x80, v4, vm0, $0xb8;
	[tilespmem:$0xC100] =	vst v63  }
0x24: {  	_ = 	snop  }
0x25: {  	[tilespmem:s8], [sflag:$0x1] =	stream.indirect_vreg.gather [hbm4b:s3+s2], $0x80, v3, vm0, $0xb8;
	[tilespmem:$0xC100] =	vst v63  }
0x26: {  	v3 =	vld [tilespmem:$0x10];
	_ =	sdelay $0x4  }
0x27: {  	v29 =	vshll.u32 v3, $0x1  }
0x28: {  	v3 =	vand.u32 $0x7, v3;
	v4 =	vand.u32 $0xFFFFFFF0, v29  }
0x29: {  	v3 =	vor.u32 v3, v4  }
0x2a: {  	v4 =	vperm.xlane v3, v0;
	_ =	sdelay $0x1  }
0x2b: {  	v3 =	vperm.xlane v3, v2;
	v4 =	vadd.s32 v1, v4;
	_ =	sdelay $0x1  }
0x2c: {  	v3 =	vadd.s32 v1, v3;
	_ =	sdelay $0x2  }
0x2d: {  	[tilespmem:s9], [sflag:$0x1] =	stream.indirect_vreg.gather [hbm4b:s3+s2], $0x80, v4, vm0, $0xb8;
	[tilespmem:$0xC100] =	vst v63  }
0x2e: {  	_ = 	snop  }
0x2f: {  	[tilespmem:s10], [sflag:$0x1] =	stream.indirect_vreg.gather [hbm4b:s3+s2], $0x80, v3, vm0, $0xb8;
	[tilespmem:$0xC100] =	vst v63  }
0x30: {  	v3 =	vld [tilespmem:$0x20];
	_ =	sdelay $0x4  }
0x31: {  	v30 =	vshll.u32 v3, $0x1  }
0x32: {  	v3 =	vand.u32 $0x7, v3;
	v4 =	vand.u32 $0xFFFFFFF0, v30  }
0x33: {  	v3 =	vor.u32 v3, v4  }
0x34: {  	v4 =	vperm.xlane v3, v0;
	_ =	sdelay $0x1  }
0x35: {  	v3 =	vperm.xlane v3, v2;
	v4 =	vadd.s32 v1, v4;
	_ =	sdelay $0x1  }
0x36: {  	v3 =	vadd.s32 v1, v3;
	_ =	sdelay $0x2  }
0x37: {  	[tilespmem:s11], [sflag:$0x1] =	stream.indirect_vreg.gather [hbm4b:s3+s2], $0x80, v4, vm0, $0xb8;
	[tilespmem:$0xC100] =	vst v63  }
0x38: {  	_ = 	snop  }
0x39: {  	[tilespmem:s12], [sflag:$0x1] =	stream.indirect_vreg.gather [hbm4b:s3+s2], $0x80, v3, vm0, $0xb8;
	[tilespmem:$0xC100] =	vst v63  }
0x3a: {  	v3 =	vld [tilespmem:$0x30];
	_ =	sdelay $0x4  }
0x3b: {  	v31 =	vshll.u32 v3, $0x1  }
0x3c: {  	v3 =	vand.u32 $0x7, v3;
	v4 =	vand.u32 $0xFFFFFFF0, v31  }
0x3d: {  	v3 =	vor.u32 v3, v4  }
0x3e: {  	v4 =	vperm.xlane v3, v0;
	_ =	sdelay $0x1  }
0x3f: {  	v3 =	vperm.xlane v3, v2;
	v4 =	vadd.s32 v1, v4;
	_ =	sdelay $0x1  }
0x40: {  	v3 =	vadd.s32 v1, v3;
	_ =	sdelay $0x2  }
0x41: {  	[tilespmem:s13], [sflag:$0x1] =	stream.indirect_vreg.gather [hbm4b:s3+s2], $0x80, v4, vm0, $0xb8;
	[tilespmem:$0xC100] =	vst v63  }
0x42: {  	_ = 	snop  }
0x43: {  	[tilespmem:s14], [sflag:$0x1] =	stream.indirect_vreg.gather [hbm4b:s3+s2], $0x80, v3, vm0, $0xb8;
	[tilespmem:$0xC100] =	vst v63  }
0x44: {  	v3 =	vld [tilespmem:$0x40];
	_ =	sdelay $0x4  }
0x45: {  	v32 =	vshll.u32 v3, $0x1  }
0x46: {  	v3 =	vand.u32 $0x7, v3;
	v4 =	vand.u32 $0xFFFFFFF0, v32  }
0x47: {  	v3 =	vor.u32 v3, v4  }
0x48: {  	v4 =	vperm.xlane v3, v0;
	_ =	sdelay $0x1  }
0x49: {  	v3 =	vperm.xlane v3, v2;
	v4 =	vadd.s32 v1, v4;
	_ =	sdelay $0x1  }
0x4a: {  	v3 =	vadd.s32 v1, v3;
	_ =	sdelay $0x2  }
0x4b: {  	[tilespmem:s15], [sflag:$0x1] =	stream.indirect_vreg.gather [hbm4b:s3+s2], $0x80, v4, vm0, $0xb8;
	[tilespmem:$0xC100] =	vst v63  }
0x4c: {  	_ = 	snop  }
0x4d: {  	[tilespmem:s16], [sflag:$0x1] =	stream.indirect_vreg.gather [hbm4b:s3+s2], $0x80, v3, vm0, $0xb8;
	[tilespmem:$0xC100] =	vst v63  }
0x4e: {  	v3 =	vld [tilespmem:$0x50];
	_ =	sdelay $0x4  }
0x4f: {  	v33 =	vshll.u32 v3, $0x1  }
0x50: {  	v3 =	vand.u32 $0x7, v3;
	v4 =	vand.u32 $0xFFFFFFF0, v33  }
0x51: {  	v3 =	vor.u32 v3, v4  }
0x52: {  	v4 =	vperm.xlane v3, v0;
	_ =	sdelay $0x1  }
0x53: {  	v3 =	vperm.xlane v3, v2;
	v4 =	vadd.s32 v1, v4;
	_ =	sdelay $0x1  }
0x54: {  	v3 =	vadd.s32 v1, v3;
	_ =	sdelay $0x2  }
0x55: {  	[tilespmem:s17], [sflag:$0x1] =	stream.indirect_vreg.gather [hbm4b:s3+s2], $0x80, v4, vm0, $0xb8;
	[tilespmem:$0xC100] =	vst v63  }
0x56: {  	_ = 	snop  }
0x57: {  	[tilespmem:s18], [sflag:$0x1] =	stream.indirect_vreg.gather [hbm4b:s3+s2], $0x80, v3, vm0, $0xb8;
	[tilespmem:$0xC100] =	vst v63  }
0x58: {  	v3 =	vld [tilespmem:$0x60];
	_ =	sdelay $0x4  }
0x59: {  	v34 =	vshll.u32 v3, $0x1  }
0x5a: {  	v3 =	vand.u32 $0x7, v3;
	v4 =	vand.u32 $0xFFFFFFF0, v34  }
0x5b: {  	v3 =	vor.u32 v3, v4  }
0x5c: {  	v4 =	vperm.xlane v3, v0;
	_ =	sdelay $0x1  }
0x5d: {  	v3 =	vperm.xlane v3, v2;
	v4 =	vadd.s32 v1, v4;
	_ =	sdelay $0x1  }
0x5e: {  	v3 =	vadd.s32 v1, v3;
	_ =	sdelay $0x2  }
0x5f: {  	[tilespmem:s19], [sflag:$0x1] =	stream.indirect_vreg.gather [hbm4b:s3+s2], $0x80, v4, vm0, $0xb8;
	[tilespmem:$0xC100] =	vst v63  }
0x60: {  	_ = 	snop  }
0x61: {  	[tilespmem:s20], [sflag:$0x1] =	stream.indirect_vreg.gather [hbm4b:s3+s2], $0x80, v3, vm0, $0xb8;
	[tilespmem:$0xC100] =	vst v63  }
0x62: {  	v3 =	vld [tilespmem:$0x70];
	_ =	sdelay $0x4  }
0x63: {  	v35 =	vshll.u32 v3, $0x1  }
0x64: {  	v3 =	vand.u32 $0x7, v3;
	v4 =	vand.u32 $0xFFFFFFF0, v35  }
0x65: {  	v3 =	vor.u32 v3, v4  }
0x66: {  	v4 =	vperm.xlane v3, v0;
	_ =	sdelay $0x1  }
0x67: {  	v3 =	vperm.xlane v3, v2;
	v4 =	vadd.s32 v1, v4;
	_ =	sdelay $0x1  }
0x68: {  	v3 =	vadd.s32 v1, v3;
	_ =	sdelay $0x2  }
0x69: {  	[tilespmem:s21], [sflag:$0x1] =	stream.indirect_vreg.gather [hbm4b:s3+s2], $0x80, v4, vm0, $0xb8;
	[tilespmem:$0xC100] =	vst v63  }
0x6a: {  	_ = 	snop  }
0x6b: {  	[tilespmem:s22], [sflag:$0x1] =	stream.indirect_vreg.gather [hbm4b:s3+s2], $0x80, v3, vm0, $0xb8;
	[tilespmem:$0xC100] =	vst v63  }
0x6c: {  	v3 =	vld [tilespmem:$0x80];
	_ =	sdelay $0x4  }
0x6d: {  	v36 =	vshll.u32 v3, $0x1  }
0x6e: {  	v3 =	vand.u32 $0x7, v3;
	v4 =	vand.u32 $0xFFFFFFF0, v36  }
0x6f: {  	v3 =	vor.u32 v3, v4  }
0x70: {  	v4 =	vperm.xlane v3, v0;
	_ =	sdelay $0x1  }
0x71: {  	v3 =	vperm.xlane v3, v2;
	v4 =	vadd.s32 v1, v4;
	_ =	sdelay $0x1  }
0x72: {  	v3 =	vadd.s32 v1, v3;
	_ =	sdelay $0x2  }
0x73: {  	[tilespmem:s23], [sflag:$0x1] =	stream.indirect_vreg.gather [hbm4b:s3+s2], $0x80, v4, vm0, $0xb8;
	[tilespmem:$0xC100] =	vst v63  }
0x74: {  	_ = 	snop  }
0x75: {  	[tilespmem:s24], [sflag:$0x1] =	stream.indirect_vreg.gather [hbm4b:s3+s2], $0x80, v3, vm0, $0xb8;
	[tilespmem:$0xC100] =	vst v63  }
0x76: {  	v3 =	vld [tilespmem:$0x90];
	_ =	sdelay $0x4  }
0x77: {  	v37 =	vshll.u32 v3, $0x1  }
0x78: {  	v3 =	vand.u32 $0x7, v3;
	v4 =	vand.u32 $0xFFFFFFF0, v37  }
0x79: {  	v3 =	vor.u32 v3, v4  }
0x7a: {  	v4 =	vperm.xlane v3, v0;
	_ =	sdelay $0x1  }
0x7b: {  	v3 =	vperm.xlane v3, v2;
	v4 =	vadd.s32 v1, v4;
	_ =	sdelay $0x1  }
0x7c: {  	v3 =	vadd.s32 v1, v3;
	_ =	sdelay $0x2  }
0x7d: {  	[tilespmem:s25], [sflag:$0x1] =	stream.indirect_vreg.gather [hbm4b:s3+s2], $0x80, v4, vm0, $0xb8;
	[tilespmem:$0xC100] =	vst v63  }
0x7e: {  	_ = 	snop  }
0x7f: {  	[tilespmem:s26], [sflag:$0x1] =	stream.indirect_vreg.gather [hbm4b:s3+s2], $0x80, v3, vm0, $0xb8;
	[tilespmem:$0xC100] =	vst v63  }
0x80: {  	v3 =	vld [tilespmem:$0xA0];
	_ =	sdelay $0x4  }
0x81: {  	v38 =	vshll.u32 v3, $0x1  }
0x82: {  	v3 =	vand.u32 $0x7, v3;
	v4 =	vand.u32 $0xFFFFFFF0, v38  }
0x83: {  	v3 =	vor.u32 v3, v4  }
0x84: {  	v4 =	vperm.xlane v3, v0;
	_ =	sdelay $0x1  }
0x85: {  	v3 =	vperm.xlane v3, v2;
	v4 =	vadd.s32 v1, v4;
	_ =	sdelay $0x1  }
0x86: {  	v3 =	vadd.s32 v1, v3;
	_ =	sdelay $0x2  }
0x87: {  	[tilespmem:s28], [sflag:$0x1] =	stream.indirect_vreg.gather [hbm4b:s3+s2], $0x80, v4, vm0, $0xb8;
	[tilespmem:$0xC100] =	vst v63  }
0x88: {  	_ = 	snop  }
0x89: {  	[tilespmem:s29], [sflag:$0x1] =	stream.indirect_vreg.gather [hbm4b:s3+s2], $0x80, v3, vm0, $0xb8;
	[tilespmem:$0xC100] =	vst v63  }
0x8a: {  	v3 =	vld [tilespmem:$0xB0];
	_ =	sdelay $0x4  }
0x8b: {  	v39 =	vshll.u32 v3, $0x1  }
0x8c: {  	v3 =	vand.u32 $0x7, v3;
	v4 =	vand.u32 $0xFFFFFFF0, v39  }
0x8d: {  	v3 =	vor.u32 v3, v4  }
0x8e: {  	v4 =	vperm.xlane v3, v0;
	_ =	sdelay $0x1  }
0x8f: {  	v3 =	vperm.xlane v3, v2;
	v4 =	vadd.s32 v1, v4;
	_ =	sdelay $0x1  }
0x90: {  	v3 =	vadd.s32 v1, v3;
	_ =	sdelay $0x2  }
0x91: {  	[tilespmem:s30], [sflag:$0x1] =	stream.indirect_vreg.gather [hbm4b:s3+s2], $0x80, v4, vm0, $0xb8;
	[tilespmem:$0xC100] =	vst v63  }
0x92: {  	_ = 	snop  }
0x93: {  	[tilespmem:s31], [sflag:$0x1] =	stream.indirect_vreg.gather [hbm4b:s3+s2], $0x80, v3, vm0, $0xb8;
	[tilespmem:$0xC100] =	vst v63  }
0x94: {  	_ =	swait.ge [sflag:s1], $0xC000  }
0x95: {  	[sflag:s1] =	ssyncset.done $0x0  }
0x96: {  	s0 =	rddreg [dreg:$0x5];
	[sflag:s1] =	ssyncadd.s32 $0xFFFF4000  }
0x97: {  	[hbm4b:s0+s2] =	stream.linear.scatter [tilespmem:s7], [sflag:$0x2], $0xC000, $0x38;
	[tilespmem:$0xC100] =	vst v63  }
0x98: {  	_ =	swait.ge [sflag:s6], $0xC000  }
0x99: {  	[sflag:s6] =	ssyncset.done $0x0  }
0x9a: {  	s0 =	rddreg [dreg:$0x6];
	[sflag:s6] =	ssyncadd.s32 $0xFFFF4000  }
0x9b: {  	[tilespmem:s2], [sflag:$0x2] =	stream.linear.gather [hbm4b:s0+s2], $0xC0, $0x38;
	[tilespmem:$0xC100] =	vst v63  }
0x9c: {  	_ =	swait.ge [sflag:s6], $0xC0  }
0x9d: {  	[sflag:s6] =	ssyncset.done $0x0  }
0x9e: {  	[sflag:s6] =	ssyncadd.s32 $0xFFFFFF40  }
0x9f: {  	v3 =	vld [tilespmem:$0x0];
	_ =	sdelay $0x4  }
0xa0: {  	v40 =	vshll.u32 v3, $0x1  }
0xa1: {  	v3 =	vand.u32 $0x7, v3;
	v4 =	vand.u32 $0xFFFFFFF0, v40  }
0xa2: {  	v3 =	vor.u32 v3, v4  }
0xa3: {  	v4 =	vperm.xlane v3, v0;
	_ =	sdelay $0x1  }
0xa4: {  	v3 =	vperm.xlane v3, v2;
	v4 =	vadd.s32 v1, v4;
	_ =	sdelay $0x1  }
0xa5: {  	v3 =	vadd.s32 v1, v3;
	_ =	sdelay $0x2  }
0xa6: {  	[tilespmem:s7], [sflag:$0x1] =	stream.indirect_vreg.gather [hbm4b:s3+s2], $0x80, v4, vm0, $0xb8;
	[tilespmem:$0xC100] =	vst v63  }
0xa7: {  	_ = 	snop  }
0xa8: {  	[tilespmem:s8], [sflag:$0x1] =	stream.indirect_vreg.gather [hbm4b:s3+s2], $0x80, v3, vm0, $0xb8;
	[tilespmem:$0xC100] =	vst v63  }
0xa9: {  	v3 =	vld [tilespmem:$0x10];
	_ =	sdelay $0x4  }
0xaa: {  	v41 =	vshll.u32 v3, $0x1  }
0xab: {  	v3 =	vand.u32 $0x7, v3;
	v4 =	vand.u32 $0xFFFFFFF0, v41  }
0xac: {  	v3 =	vor.u32 v3, v4  }
0xad: {  	v4 =	vperm.xlane v3, v0;
	_ =	sdelay $0x1  }
0xae: {  	v3 =	vperm.xlane v3, v2;
	v4 =	vadd.s32 v1, v4;
	_ =	sdelay $0x1  }
0xaf: {  	v3 =	vadd.s32 v1, v3;
	_ =	sdelay $0x2  }
0xb0: {  	[tilespmem:s9], [sflag:$0x1] =	stream.indirect_vreg.gather [hbm4b:s3+s2], $0x80, v4, vm0, $0xb8;
	[tilespmem:$0xC100] =	vst v63  }
0xb1: {  	_ = 	snop  }
0xb2: {  	[tilespmem:s10], [sflag:$0x1] =	stream.indirect_vreg.gather [hbm4b:s3+s2], $0x80, v3, vm0, $0xb8;
	[tilespmem:$0xC100] =	vst v63  }
0xb3: {  	v3 =	vld [tilespmem:$0x20];
	_ =	sdelay $0x4  }
0xb4: {  	v42 =	vshll.u32 v3, $0x1  }
0xb5: {  	v3 =	vand.u32 $0x7, v3;
	v4 =	vand.u32 $0xFFFFFFF0, v42  }
0xb6: {  	v3 =	vor.u32 v3, v4  }
0xb7: {  	v4 =	vperm.xlane v3, v0;
	_ =	sdelay $0x1  }
0xb8: {  	v3 =	vperm.xlane v3, v2;
	v4 =	vadd.s32 v1, v4;
	_ =	sdelay $0x1  }
0xb9: {  	v3 =	vadd.s32 v1, v3;
	_ =	sdelay $0x2  }
0xba: {  	[tilespmem:s11], [sflag:$0x1] =	stream.indirect_vreg.gather [hbm4b:s3+s2], $0x80, v4, vm0, $0xb8;
	[tilespmem:$0xC100] =	vst v63  }
0xbb: {  	_ = 	snop  }
0xbc: {  	[tilespmem:s12], [sflag:$0x1] =	stream.indirect_vreg.gather [hbm4b:s3+s2], $0x80, v3, vm0, $0xb8;
	[tilespmem:$0xC100] =	vst v63  }
0xbd: {  	v3 =	vld [tilespmem:$0x30];
	_ =	sdelay $0x4  }
0xbe: {  	v43 =	vshll.u32 v3, $0x1  }
0xbf: {  	v3 =	vand.u32 $0x7, v3;
	v4 =	vand.u32 $0xFFFFFFF0, v43  }
0xc0: {  	v3 =	vor.u32 v3, v4  }
0xc1: {  	v4 =	vperm.xlane v3, v0;
	_ =	sdelay $0x1  }
0xc2: {  	v3 =	vperm.xlane v3, v2;
	v4 =	vadd.s32 v1, v4;
	_ =	sdelay $0x1  }
0xc3: {  	v3 =	vadd.s32 v1, v3;
	_ =	sdelay $0x2  }
0xc4: {  	[tilespmem:s13], [sflag:$0x1] =	stream.indirect_vreg.gather [hbm4b:s3+s2], $0x80, v4, vm0, $0xb8;
	[tilespmem:$0xC100] =	vst v63  }
0xc5: {  	_ = 	snop  }
0xc6: {  	[tilespmem:s14], [sflag:$0x1] =	stream.indirect_vreg.gather [hbm4b:s3+s2], $0x80, v3, vm0, $0xb8;
	[tilespmem:$0xC100] =	vst v63  }
0xc7: {  	v3 =	vld [tilespmem:$0x40];
	_ =	sdelay $0x4  }
0xc8: {  	v44 =	vshll.u32 v3, $0x1  }
0xc9: {  	v3 =	vand.u32 $0x7, v3;
	v4 =	vand.u32 $0xFFFFFFF0, v44  }
0xca: {  	v3 =	vor.u32 v3, v4  }
0xcb: {  	v4 =	vperm.xlane v3, v0;
	_ =	sdelay $0x1  }
0xcc: {  	v3 =	vperm.xlane v3, v2;
	v4 =	vadd.s32 v1, v4;
	_ =	sdelay $0x1  }
0xcd: {  	v3 =	vadd.s32 v1, v3;
	_ =	sdelay $0x2  }
0xce: {  	[tilespmem:s15], [sflag:$0x1] =	stream.indirect_vreg.gather [hbm4b:s3+s2], $0x80, v4, vm0, $0xb8;
	[tilespmem:$0xC100] =	vst v63  }
0xcf: {  	_ = 	snop  }
0xd0: {  	[tilespmem:s16], [sflag:$0x1] =	stream.indirect_vreg.gather [hbm4b:s3+s2], $0x80, v3, vm0, $0xb8;
	[tilespmem:$0xC100] =	vst v63  }
0xd1: {  	v3 =	vld [tilespmem:$0x50];
	_ =	sdelay $0x4  }
0xd2: {  	v45 =	vshll.u32 v3, $0x1  }
0xd3: {  	v3 =	vand.u32 $0x7, v3;
	v4 =	vand.u32 $0xFFFFFFF0, v45  }
0xd4: {  	v3 =	vor.u32 v3, v4  }
0xd5: {  	v4 =	vperm.xlane v3, v0;
	_ =	sdelay $0x1  }
0xd6: {  	v3 =	vperm.xlane v3, v2;
	v4 =	vadd.s32 v1, v4;
	_ =	sdelay $0x1  }
0xd7: {  	v3 =	vadd.s32 v1, v3;
	_ =	sdelay $0x2  }
0xd8: {  	[tilespmem:s17], [sflag:$0x1] =	stream.indirect_vreg.gather [hbm4b:s3+s2], $0x80, v4, vm0, $0xb8;
	[tilespmem:$0xC100] =	vst v63  }
0xd9: {  	_ = 	snop  }
0xda: {  	[tilespmem:s18], [sflag:$0x1] =	stream.indirect_vreg.gather [hbm4b:s3+s2], $0x80, v3, vm0, $0xb8;
	[tilespmem:$0xC100] =	vst v63  }
0xdb: {  	v3 =	vld [tilespmem:$0x60];
	_ =	sdelay $0x4  }
0xdc: {  	v46 =	vshll.u32 v3, $0x1  }
0xdd: {  	v3 =	vand.u32 $0x7, v3;
	v4 =	vand.u32 $0xFFFFFFF0, v46  }
0xde: {  	v3 =	vor.u32 v3, v4  }
0xdf: {  	v4 =	vperm.xlane v3, v0;
	_ =	sdelay $0x1  }
0xe0: {  	v3 =	vperm.xlane v3, v2;
	v4 =	vadd.s32 v1, v4;
	_ =	sdelay $0x1  }
0xe1: {  	v3 =	vadd.s32 v1, v3;
	_ =	sdelay $0x2  }
0xe2: {  	[tilespmem:s19], [sflag:$0x1] =	stream.indirect_vreg.gather [hbm4b:s3+s2], $0x80, v4, vm0, $0xb8;
	[tilespmem:$0xC100] =	vst v63  }
0xe3: {  	_ = 	snop  }
0xe4: {  	[tilespmem:s20], [sflag:$0x1] =	stream.indirect_vreg.gather [hbm4b:s3+s2], $0x80, v3, vm0, $0xb8;
	[tilespmem:$0xC100] =	vst v63  }
0xe5: {  	v3 =	vld [tilespmem:$0x70];
	_ =	sdelay $0x4  }
0xe6: {  	v47 =	vshll.u32 v3, $0x1  }
0xe7: {  	v3 =	vand.u32 $0x7, v3;
	v4 =	vand.u32 $0xFFFFFFF0, v47  }
0xe8: {  	v3 =	vor.u32 v3, v4  }
0xe9: {  	v4 =	vperm.xlane v3, v0;
	_ =	sdelay $0x1  }
0xea: {  	v3 =	vperm.xlane v3, v2;
	v4 =	vadd.s32 v1, v4;
	_ =	sdelay $0x1  }
0xeb: {  	v3 =	vadd.s32 v1, v3;
	_ =	sdelay $0x2  }
0xec: {  	[tilespmem:s21], [sflag:$0x1] =	stream.indirect_vreg.gather [hbm4b:s3+s2], $0x80, v4, vm0, $0xb8;
	[tilespmem:$0xC100] =	vst v63  }
0xed: {  	_ = 	snop  }
0xee: {  	[tilespmem:s22], [sflag:$0x1] =	stream.indirect_vreg.gather [hbm4b:s3+s2], $0x80, v3, vm0, $0xb8;
	[tilespmem:$0xC100] =	vst v63  }
0xef: {  	v3 =	vld [tilespmem:$0x80];
	_ =	sdelay $0x4  }
0xf0: {  	v48 =	vshll.u32 v3, $0x1  }
0xf1: {  	v3 =	vand.u32 $0x7, v3;
	v4 =	vand.u32 $0xFFFFFFF0, v48  }
0xf2: {  	v3 =	vor.u32 v3, v4  }
0xf3: {  	v4 =	vperm.xlane v3, v0;
	_ =	sdelay $0x1  }
0xf4: {  	v3 =	vperm.xlane v3, v2;
	v4 =	vadd.s32 v1, v4;
	_ =	sdelay $0x1  }
0xf5: {  	v3 =	vadd.s32 v1, v3;
	_ =	sdelay $0x2  }
0xf6: {  	[tilespmem:s23], [sflag:$0x1] =	stream.indirect_vreg.gather [hbm4b:s3+s2], $0x80, v4, vm0, $0xb8;
	[tilespmem:$0xC100] =	vst v63  }
0xf7: {  	_ = 	snop  }
0xf8: {  	[tilespmem:s24], [sflag:$0x1] =	stream.indirect_vreg.gather [hbm4b:s3+s2], $0x80, v3, vm0, $0xb8;
	[tilespmem:$0xC100] =	vst v63  }
0xf9: {  	v3 =	vld [tilespmem:$0x90];
	_ =	sdelay $0x4  }
0xfa: {  	v49 =	vshll.u32 v3, $0x1  }
0xfb: {  	v3 =	vand.u32 $0x7, v3;
	v4 =	vand.u32 $0xFFFFFFF0, v49  }
0xfc: {  	v3 =	vor.u32 v3, v4  }
0xfd: {  	v4 =	vperm.xlane v3, v0;
	_ =	sdelay $0x1  }
0xfe: {  	v3 =	vperm.xlane v3, v2;
	v4 =	vadd.s32 v1, v4;
	_ =	sdelay $0x1  }
0xff: {  	v3 =	vadd.s32 v1, v3;
	_ =	sdelay $0x2  }
0x100: {  	[tilespmem:s25], [sflag:$0x1] =	stream.indirect_vreg.gather [hbm4b:s3+s2], $0x80, v4, vm0, $0xb8;
	[tilespmem:$0xC100] =	vst v63  }
0x101: {  	_ = 	snop  }
0x102: {  	[tilespmem:s26], [sflag:$0x1] =	stream.indirect_vreg.gather [hbm4b:s3+s2], $0x80, v3, vm0, $0xb8;
	[tilespmem:$0xC100] =	vst v63  }
0x103: {  	v3 =	vld [tilespmem:$0xA0];
	_ =	sdelay $0x4  }
0x104: {  	v50 =	vshll.u32 v3, $0x1  }
0x105: {  	v3 =	vand.u32 $0x7, v3;
	v4 =	vand.u32 $0xFFFFFFF0, v50  }
0x106: {  	v3 =	vor.u32 v3, v4  }
0x107: {  	v4 =	vperm.xlane v3, v0;
	_ =	sdelay $0x1  }
0x108: {  	v3 =	vperm.xlane v3, v2;
	v4 =	vadd.s32 v1, v4;
	_ =	sdelay $0x1  }
0x109: {  	v3 =	vadd.s32 v1, v3;
	_ =	sdelay $0x2  }
0x10a: {  	[tilespmem:s28], [sflag:$0x1] =	stream.indirect_vreg.gather [hbm4b:s3+s2], $0x80, v4, vm0, $0xb8;
	[tilespmem:$0xC100] =	vst v63  }
0x10b: {  	_ = 	snop  }
0x10c: {  	[tilespmem:s29], [sflag:$0x1] =	stream.indirect_vreg.gather [hbm4b:s3+s2], $0x80, v3, vm0, $0xb8;
	[tilespmem:$0xC100] =	vst v63  }
0x10d: {  	v3 =	vld [tilespmem:$0xB0];
	_ =	sdelay $0x4  }
0x10e: {  	v51 =	vshll.u32 v3, $0x1  }
0x10f: {  	v3 =	vand.u32 $0x7, v3;
	v4 =	vand.u32 $0xFFFFFFF0, v51  }
0x110: {  	v3 =	vor.u32 v3, v4  }
0x111: {  	v4 =	vperm.xlane v3, v0;
	_ =	sdelay $0x1  }
0x112: {  	v3 =	vperm.xlane v3, v2;
	v4 =	vadd.s32 v1, v4;
	_ =	sdelay $0x1  }
0x113: {  	v3 =	vadd.s32 v1, v3;
	_ =	sdelay $0x2  }
0x114: {  	[tilespmem:s30], [sflag:$0x1] =	stream.indirect_vreg.gather [hbm4b:s3+s2], $0x80, v4, vm0, $0xb8;
	[tilespmem:$0xC100] =	vst v63  }
0x115: {  	_ = 	snop  }
0x116: {  	[tilespmem:s31], [sflag:$0x1] =	stream.indirect_vreg.gather [hbm4b:s3+s2], $0x80, v3, vm0, $0xb8;
	[tilespmem:$0xC100] =	vst v63  }
0x117: {  	_ =	swait.ge [sflag:s1], $0xC000  }
0x118: {  	[sflag:s1] =	ssyncset.done $0x0  }
0x119: {  	s0 =	rddreg [dreg:$0x7];
	[sflag:s1] =	ssyncadd.s32 $0xFFFF4000  }
0x11a: {  	[hbm4b:s0+s2] =	stream.linear.scatter [tilespmem:s7], [sflag:$0x2], $0xC000, $0x38;
	[tilespmem:$0xC100] =	vst v63  }
0x11b: {  	_ =	swait.ge [sflag:s6], $0xC000  }
0x11c: {  	[sflag:s6] =	ssyncset.done $0x0  }
0x11d: {  	s0 =	rddreg [dreg:$0x8];
	[sflag:s6] =	ssyncadd.s32 $0xFFFF4000  }
0x11e: {  	[tilespmem:s2], [sflag:$0x2] =	stream.linear.gather [hbm4b:s0+s2], $0xC0, $0x38;
	[tilespmem:$0xC100] =	vst v63  }
0x11f: {  	_ =	swait.ge [sflag:s6], $0xC0  }
0x120: {  	[sflag:s6] =	ssyncset.done $0x0  }
0x121: {  	[sflag:s6] =	ssyncadd.s32 $0xFFFFFF40  }
0x122: {  	v3 =	vld [tilespmem:$0x0];
	_ =	sdelay $0x4  }
0x123: {  	v52 =	vshll.u32 v3, $0x1  }
0x124: {  	v3 =	vand.u32 $0x7, v3;
	v4 =	vand.u32 $0xFFFFFFF0, v52  }
0x125: {  	v3 =	vor.u32 v3, v4  }
0x126: {  	v4 =	vperm.xlane v3, v0;
	_ =	sdelay $0x1  }
0x127: {  	v3 =	vperm.xlane v3, v2;
	v4 =	vadd.s32 v1, v4;
	_ =	sdelay $0x1  }
0x128: {  	v3 =	vadd.s32 v1, v3;
	_ =	sdelay $0x2  }
0x129: {  	[tilespmem:s7], [sflag:$0x1] =	stream.indirect_vreg.gather [hbm4b:s3+s2], $0x80, v4, vm0, $0xb8;
	[tilespmem:$0xC100] =	vst v63  }
0x12a: {  	_ = 	snop  }
0x12b: {  	[tilespmem:s8], [sflag:$0x1] =	stream.indirect_vreg.gather [hbm4b:s3+s2], $0x80, v3, vm0, $0xb8;
	[tilespmem:$0xC100] =	vst v63  }
0x12c: {  	v3 =	vld [tilespmem:$0x10];
	_ =	sdelay $0x4  }
0x12d: {  	v53 =	vshll.u32 v3, $0x1  }
0x12e: {  	v3 =	vand.u32 $0x7, v3;
	v4 =	vand.u32 $0xFFFFFFF0, v53  }
0x12f: {  	v3 =	vor.u32 v3, v4  }
0x130: {  	v4 =	vperm.xlane v3, v0;
	_ =	sdelay $0x1  }
0x131: {  	v3 =	vperm.xlane v3, v2;
	v4 =	vadd.s32 v1, v4;
	_ =	sdelay $0x1  }
0x132: {  	v3 =	vadd.s32 v1, v3;
	_ =	sdelay $0x2  }
0x133: {  	[tilespmem:s9], [sflag:$0x1] =	stream.indirect_vreg.gather [hbm4b:s3+s2], $0x80, v4, vm0, $0xb8;
	[tilespmem:$0xC100] =	vst v63  }
0x134: {  	_ = 	snop  }
0x135: {  	[tilespmem:s10], [sflag:$0x1] =	stream.indirect_vreg.gather [hbm4b:s3+s2], $0x80, v3, vm0, $0xb8;
	[tilespmem:$0xC100] =	vst v63  }
0x136: {  	v3 =	vld [tilespmem:$0x20];
	_ =	sdelay $0x4  }
0x137: {  	v54 =	vshll.u32 v3, $0x1  }
0x138: {  	v3 =	vand.u32 $0x7, v3;
	v4 =	vand.u32 $0xFFFFFFF0, v54  }
0x139: {  	v3 =	vor.u32 v3, v4  }
0x13a: {  	v4 =	vperm.xlane v3, v0;
	_ =	sdelay $0x1  }
0x13b: {  	v3 =	vperm.xlane v3, v2;
	v4 =	vadd.s32 v1, v4;
	_ =	sdelay $0x1  }
0x13c: {  	v3 =	vadd.s32 v1, v3;
	_ =	sdelay $0x2  }
0x13d: {  	[tilespmem:s11], [sflag:$0x1] =	stream.indirect_vreg.gather [hbm4b:s3+s2], $0x80, v4, vm0, $0xb8;
	[tilespmem:$0xC100] =	vst v63  }
0x13e: {  	_ = 	snop  }
0x13f: {  	[tilespmem:s12], [sflag:$0x1] =	stream.indirect_vreg.gather [hbm4b:s3+s2], $0x80, v3, vm0, $0xb8;
	[tilespmem:$0xC100] =	vst v63  }
0x140: {  	v3 =	vld [tilespmem:$0x30];
	_ =	sdelay $0x4  }
0x141: {  	v55 =	vshll.u32 v3, $0x1  }
0x142: {  	v3 =	vand.u32 $0x7, v3;
	v4 =	vand.u32 $0xFFFFFFF0, v55  }
0x143: {  	v3 =	vor.u32 v3, v4  }
0x144: {  	v4 =	vperm.xlane v3, v0;
	_ =	sdelay $0x1  }
0x145: {  	v3 =	vperm.xlane v3, v2;
	v4 =	vadd.s32 v1, v4;
	_ =	sdelay $0x1  }
0x146: {  	v3 =	vadd.s32 v1, v3;
	_ =	sdelay $0x2  }
0x147: {  	[tilespmem:s13], [sflag:$0x1] =	stream.indirect_vreg.gather [hbm4b:s3+s2], $0x80, v4, vm0, $0xb8;
	[tilespmem:$0xC100] =	vst v63  }
0x148: {  	_ = 	snop  }
0x149: {  	[tilespmem:s14], [sflag:$0x1] =	stream.indirect_vreg.gather [hbm4b:s3+s2], $0x80, v3, vm0, $0xb8;
	[tilespmem:$0xC100] =	vst v63  }
0x14a: {  	v3 =	vld [tilespmem:$0x40];
	_ =	sdelay $0x4  }
0x14b: {  	v56 =	vshll.u32 v3, $0x1  }
0x14c: {  	v3 =	vand.u32 $0x7, v3;
	v4 =	vand.u32 $0xFFFFFFF0, v56  }
0x14d: {  	v3 =	vor.u32 v3, v4  }
0x14e: {  	v4 =	vperm.xlane v3, v0;
	_ =	sdelay $0x1  }
0x14f: {  	v3 =	vperm.xlane v3, v2;
	v4 =	vadd.s32 v1, v4;
	_ =	sdelay $0x1  }
0x150: {  	v3 =	vadd.s32 v1, v3;
	_ =	sdelay $0x2  }
0x151: {  	[tilespmem:s15], [sflag:$0x1] =	stream.indirect_vreg.gather [hbm4b:s3+s2], $0x80, v4, vm0, $0xb8;
	[tilespmem:$0xC100] =	vst v63  }
0x152: {  	_ = 	snop  }
0x153: {  	[tilespmem:s16], [sflag:$0x1] =	stream.indirect_vreg.gather [hbm4b:s3+s2], $0x80, v3, vm0, $0xb8;
	[tilespmem:$0xC100] =	vst v63  }
0x154: {  	v3 =	vld [tilespmem:$0x50];
	_ =	sdelay $0x4  }
0x155: {  	v57 =	vshll.u32 v3, $0x1  }
0x156: {  	v3 =	vand.u32 $0x7, v3;
	v4 =	vand.u32 $0xFFFFFFF0, v57  }
0x157: {  	v3 =	vor.u32 v3, v4  }
0x158: {  	v4 =	vperm.xlane v3, v0;
	_ =	sdelay $0x1  }
0x159: {  	v3 =	vperm.xlane v3, v2;
	v4 =	vadd.s32 v1, v4;
	_ =	sdelay $0x1  }
0x15a: {  	v3 =	vadd.s32 v1, v3;
	_ =	sdelay $0x2  }
0x15b: {  	[tilespmem:s17], [sflag:$0x1] =	stream.indirect_vreg.gather [hbm4b:s3+s2], $0x80, v4, vm0, $0xb8;
	[tilespmem:$0xC100] =	vst v63  }
0x15c: {  	_ = 	snop  }
0x15d: {  	[tilespmem:s18], [sflag:$0x1] =	stream.indirect_vreg.gather [hbm4b:s3+s2], $0x80, v3, vm0, $0xb8;
	[tilespmem:$0xC100] =	vst v63  }
0x15e: {  	v3 =	vld [tilespmem:$0x60];
	_ =	sdelay $0x4  }
0x15f: {  	v58 =	vshll.u32 v3, $0x1  }
0x160: {  	v3 =	vand.u32 $0x7, v3;
	v4 =	vand.u32 $0xFFFFFFF0, v58  }
0x161: {  	v3 =	vor.u32 v3, v4  }
0x162: {  	v4 =	vperm.xlane v3, v0;
	_ =	sdelay $0x1  }
0x163: {  	v3 =	vperm.xlane v3, v2;
	v4 =	vadd.s32 v1, v4;
	_ =	sdelay $0x1  }
0x164: {  	v3 =	vadd.s32 v1, v3;
	_ =	sdelay $0x2  }
0x165: {  	[tilespmem:s19], [sflag:$0x1] =	stream.indirect_vreg.gather [hbm4b:s3+s2], $0x80, v4, vm0, $0xb8;
	[tilespmem:$0xC100] =	vst v63  }
0x166: {  	_ = 	snop  }
0x167: {  	[tilespmem:s20], [sflag:$0x1] =	stream.indirect_vreg.gather [hbm4b:s3+s2], $0x80, v3, vm0, $0xb8;
	[tilespmem:$0xC100] =	vst v63  }
0x168: {  	v3 =	vld [tilespmem:$0x70];
	_ =	sdelay $0x4  }
0x169: {  	v59 =	vshll.u32 v3, $0x1  }
0x16a: {  	v3 =	vand.u32 $0x7, v3;
	v4 =	vand.u32 $0xFFFFFFF0, v59  }
0x16b: {  	v3 =	vor.u32 v3, v4  }
0x16c: {  	v4 =	vperm.xlane v3, v0;
	_ =	sdelay $0x1  }
0x16d: {  	v3 =	vperm.xlane v3, v2;
	v4 =	vadd.s32 v1, v4;
	_ =	sdelay $0x1  }
0x16e: {  	v3 =	vadd.s32 v1, v3;
	_ =	sdelay $0x2  }
0x16f: {  	[tilespmem:s21], [sflag:$0x1] =	stream.indirect_vreg.gather [hbm4b:s3+s2], $0x80, v4, vm0, $0xb8;
	[tilespmem:$0xC100] =	vst v63  }
0x170: {  	_ = 	snop  }
0x171: {  	[tilespmem:s22], [sflag:$0x1] =	stream.indirect_vreg.gather [hbm4b:s3+s2], $0x80, v3, vm0, $0xb8;
	[tilespmem:$0xC100] =	vst v63  }
0x172: {  	v3 =	vld [tilespmem:$0x80];
	_ =	sdelay $0x4  }
0x173: {  	v60 =	vshll.u32 v3, $0x1  }
0x174: {  	v3 =	vand.u32 $0x7, v3;
	v4 =	vand.u32 $0xFFFFFFF0, v60  }
0x175: {  	v3 =	vor.u32 v3, v4  }
0x176: {  	v4 =	vperm.xlane v3, v0;
	_ =	sdelay $0x1  }
0x177: {  	v3 =	vperm.xlane v3, v2;
	v4 =	vadd.s32 v1, v4;
	_ =	sdelay $0x1  }
0x178: {  	v3 =	vadd.s32 v1, v3;
	_ =	sdelay $0x2  }
0x179: {  	[tilespmem:s23], [sflag:$0x1] =	stream.indirect_vreg.gather [hbm4b:s3+s2], $0x80, v4, vm0, $0xb8;
	[tilespmem:$0xC100] =	vst v63  }
0x17a: {  	_ = 	snop  }
0x17b: {  	[tilespmem:s24], [sflag:$0x1] =	stream.indirect_vreg.gather [hbm4b:s3+s2], $0x80, v3, vm0, $0xb8;
	[tilespmem:$0xC100] =	vst v63  }
0x17c: {  	v3 =	vld [tilespmem:$0x90];
	_ =	sdelay $0x4  }
0x17d: {  	v61 =	vshll.u32 v3, $0x1  }
0x17e: {  	v3 =	vand.u32 $0x7, v3;
	v4 =	vand.u32 $0xFFFFFFF0, v61  }
0x17f: {  	v3 =	vor.u32 v3, v4  }
0x180: {  	v4 =	vperm.xlane v3, v0;
	_ =	sdelay $0x1  }
0x181: {  	v3 =	vperm.xlane v3, v2;
	v4 =	vadd.s32 v1, v4;
	_ =	sdelay $0x1  }
0x182: {  	v3 =	vadd.s32 v1, v3;
	_ =	sdelay $0x2  }
0x183: {  	[tilespmem:s25], [sflag:$0x1] =	stream.indirect_vreg.gather [hbm4b:s3+s2], $0x80, v4, vm0, $0xb8;
	[tilespmem:$0xC100] =	vst v63  }
0x184: {  	_ = 	snop  }
0x185: {  	[tilespmem:s26], [sflag:$0x1] =	stream.indirect_vreg.gather [hbm4b:s3+s2], $0x80, v3, vm0, $0xb8;
	[tilespmem:$0xC100] =	vst v63  }
0x186: {  	v3 =	vld [tilespmem:$0xA0];
	_ =	sdelay $0x4  }
0x187: {  	v62 =	vshll.u32 v3, $0x1  }
0x188: {  	v3 =	vand.u32 $0x7, v3;
	v4 =	vand.u32 $0xFFFFFFF0, v62  }
0x189: {  	v3 =	vor.u32 v3, v4  }
0x18a: {  	v4 =	vperm.xlane v3, v0;
	_ =	sdelay $0x1  }
0x18b: {  	v3 =	vperm.xlane v3, v2;
	v4 =	vadd.s32 v1, v4;
	_ =	sdelay $0x1  }
0x18c: {  	v3 =	vadd.s32 v1, v3;
	_ =	sdelay $0x2  }
0x18d: {  	[tilespmem:s28], [sflag:$0x1] =	stream.indirect_vreg.gather [hbm4b:s3+s2], $0x80, v4, vm0, $0xb8;
	[tilespmem:$0xC100] =	vst v63  }
0x18e: {  	_ = 	snop  }
0x18f: {  	[tilespmem:s29], [sflag:$0x1] =	stream.indirect_vreg.gather [hbm4b:s3+s2], $0x80, v3, vm0, $0xb8;
	[tilespmem:$0xC100] =	vst v63  }
0x190: {  	v3 =	vld [tilespmem:$0xB0];
	_ =	sdelay $0x4  }
0x191: {  	v63 =	vshll.u32 v3, $0x1  }
0x192: {  	v3 =	vand.u32 $0x7, v3;
	v4 =	vand.u32 $0xFFFFFFF0, v63  }
0x193: {  	v3 =	vor.u32 v3, v4  }
0x194: {  	v4 =	vperm.xlane v3, v0;
	_ =	sdelay $0x1  }
0x195: {  	v3 =	vperm.xlane v3, v2;
	v4 =	vadd.s32 v1, v4;
	_ =	sdelay $0x1  }
0x196: {  	v3 =	vadd.s32 v1, v3;
	_ =	sdelay $0x2  }
0x197: {  	[tilespmem:s30], [sflag:$0x1] =	stream.indirect_vreg.gather [hbm4b:s3+s2], $0x80, v4, vm0, $0xb8;
	[tilespmem:$0xC100] =	vst v63  }
0x198: {  	_ = 	snop  }
0x199: {  	[tilespmem:s31], [sflag:$0x1] =	stream.indirect_vreg.gather [hbm4b:s3+s2], $0x80, v3, vm0, $0xb8;
	[tilespmem:$0xC100] =	vst v63  }
0x19a: {  	_ =	swait.ge [sflag:s1], $0xC000  }
0x19b: {  	p0 =	sne.s32 s5, $0x1;
	[sflag:s1] =	ssyncset.done $0x0  }
.Ltmp0:
0x19c: {  	[sflag:s1] =	ssyncadd.s32 $0xFFFF4000;
	(pc) =	sbr.rel @p0 .LBB2_1-.Ltmp0, $4  }
0x19d: {  	[hbm4b:s4+s2] =	stream.linear.scatter [tilespmem:s7], [sflag:$0x2], $0xC000, $0x38;
	[tilespmem:$0xC100] =	vst v63  }
0x19e: {  	_ =	swait.ge [sflag:s6], $0xC000  }
0x19f: {  	[sflag:s6] =	ssyncset.done $0x0  }
0x1a0: {  	s5 =	sadd.s32 $0xFFFFFFFF, s5;
	[sflag:s6] =	ssyncadd.s32 $0xFFFF4000  }
0x1a1: {  	_ =	sfence.sel $0x180000  }
0x1a2: {  	[bflag:$0x0] =	sbarrier.arrive $0xFFFF  }
0x1a3: {  	_ =	strace $0x90000047  }
0x1a4: {  	s0 =	stileid.u32;
	[bflag:$0x2] =	sbarrier.arrive $0xFFFF  }
0x1a5: {  	p0 =	sne.s32 s0, $0x0;
	s0 =	rddreg [dreg:$0x3]  }
0x1a6: {  	s0 =	sadd.s32 @!p0 $0x100000, s0  }
0x1a7: {  	[sflag:s0] =	ssyncadd.tile.s32 @!p0 $0x1;
	_ =	shalt  }
.Lfunc_end2:
_tile_overlayer_lowered:
.L_overlay_start_2:
0x1a8: {  	(tag) =	ssettag $0x2  }
0x1a9: {  	s0 =	rddreg [dreg:$0x0];
	s2 =	stileid.u32  }
0x1aa: {  	s1 =	rddreg [dreg:$0x1];
	p0 =	sne.s32 s2, $0x0  }
0x1ab: {  	s3 =	rddreg [dreg:$0x2];
	[bflag:$0x3] =	sbarrier.arrive $0xFFFF;
	s2 =	simm.s32 @!p0 $0x1C02  }
0x1ac: {  	[timem:s3], [sflag:s2] =	dma.local @!p0 [hbm:s0], s1  }
0x1ad: {  	s0 =	simm.s32 @!p0 $0x2  }
0x1ae: {  	_ =	swait.ge @!p0 [sflag:s0], s1  }
0x1af: {  	s1 =	ssub.s32 @!p0 $0x0, s1;
	[sflag:s0] =	ssyncset.done @!p0 $0x0  }
0x1b0: {  	[sflag:s0] =	ssyncadd.s32 @!p0 s1  }
0x1b1: {  	[bflag:$0x3] =	sbarrier.arrive $0xFFFF  }
0x1b2: {  	_ =	shalt  }

</sc_bundles>
